<compile_context>
chip_gen: v7x
topology: tpu7x:2x2x1
jax: 0.10.2.dev20260603
libtpu: 0.0.44.dev20260713+nightly
codegen_flags: <defaults>
</compile_context>

<pallas_src>
import functools

import jax
import jax.numpy as jnp
from jax import lax
from jax.experimental import pallas as pl
from jax.experimental.pallas import tpu as pltpu
from jax.experimental.pallas import tpu_sc as plsc

HIDDEN = 64
VOCAB = 1000
NUM_EMB = 32
EPAD = 128
NC = 2
NS = 16
NW = NC * NS

BATCH = 1024
SEQ = 50
VBLK = 32
LANES = 16


def _fused_mm_body(w_ref, emb_ref, out_ref):
    out_ref[...] = lax.dot_general(
        w_ref[...], emb_ref[...],
        dimension_numbers=(((1,), (1,)), ((), ())),
        preferred_element_type=jnp.float32,
    )


def _fused_table_t(emb_pad, W):
    return pl.pallas_call(
        _fused_mm_body,
        out_shape=jax.ShapeDtypeStruct((VOCAB, EPAD), jnp.float32),
    )(W, emb_pad)


def _sc_tgather_body(
    ft_hbm, ids_hbm, out_hbm, ft_v, ids_v, buf_a, buf_b, wsem_a, wsem_b
):
    wid = lax.axis_index("s") * NC + lax.axis_index("c")
    v0 = jnp.minimum(wid * VBLK, VOCAB - VBLK)

    def out_desc(l, buf, sem):
        return pltpu.make_async_copy(
            buf, out_hbm.at[l, pl.ds(v0, VBLK)], sem
        )

    pltpu.sync_copy(ids_hbm, ids_v)
    pltpu.sync_copy(ft_hbm.at[pl.ds(v0 * EPAD, VBLK * EPAD)], ft_v)

    def compute(l, buf_ref):
        base = l * BATCH

        def lgroup(i, c):
            off = i * LANES
            ids16 = ids_v[pl.ds(base + off, LANES)]
            vals = [
                plsc.load_gather(ft_v, [ids16 + vv * EPAD])
                for vv in range(VBLK)
            ]
            for vv in range(VBLK):
                buf_ref[vv, pl.ds(off, LANES)] = vals[vv]
            return c

        lax.fori_loop(0, BATCH // LANES, lgroup, 0)

    def fence(buf_ref):
        acc = buf_ref[0, pl.ds(BATCH - LANES, LANES)]
        for vv in range(1, VBLK):
            acc = acc + buf_ref[vv, pl.ds(BATCH - LANES, LANES)]
        for vv in range(VBLK):
            acc = acc + buf_ref[vv, pl.ds(BATCH - 2 * LANES, LANES)]
        s = jnp.sum(acc)
        return s == s

    def body(j, carry):
        l0 = 2 * j
        l1 = l0 + 1

        @pl.when(j > 0)
        def _():
            out_desc(l0 - 2, buf_a, wsem_a).wait()

        compute(l0, buf_a)

        @pl.when(fence(buf_a))
        def _():
            out_desc(l0, buf_a, wsem_a).start()

        @pl.when(j > 0)
        def _():
            out_desc(l1 - 2, buf_b, wsem_b).wait()

        compute(l1, buf_b)

        @pl.when(fence(buf_b))
        def _():
            out_desc(l1, buf_b, wsem_b).start()

        return carry

    lax.fori_loop(0, SEQ // 2, body, 0)
    out_desc(SEQ - 2, buf_a, wsem_a).wait()
    out_desc(SEQ - 1, buf_b, wsem_b).wait()


_sc_tgather = functools.partial(
    pl.kernel,
    out_type=jax.ShapeDtypeStruct((SEQ, VOCAB, BATCH), jnp.float32),
    mesh=plsc.VectorSubcoreMesh(core_axis_name="c", subcore_axis_name="s"),
    scratch_types=[
        pltpu.VMEM((VBLK * EPAD,), jnp.float32),
        pltpu.VMEM((SEQ * BATCH,), jnp.int32),
        pltpu.VMEM((VBLK, BATCH), jnp.float32),
        pltpu.VMEM((VBLK, BATCH), jnp.float32),
        pltpu.SemaphoreType.DMA,
        pltpu.SemaphoreType.DMA,
    ],
    compiler_params=pltpu.CompilerParams(
        use_tc_tiling_on_sc=True, needs_layout_passes=False
    ),
)(_sc_tgather_body)


def kernel(input_ids, emb_table, W):
    emb_pad = jnp.pad(emb_table, ((0, EPAD - NUM_EMB), (0, 0)))
    fused_t = _fused_table_t(emb_pad, W)
    ids_t = jnp.swapaxes(input_ids.astype(jnp.int32), 0, 1)
    out_t = _sc_tgather(fused_t.reshape(-1), ids_t.reshape(-1))
    return jnp.transpose(out_t, (2, 0, 1))

# --- scband reference (transcript-rebuilt; emitter-appended) ---
"""Pipeline reference for scband-teacher-vlm-23957327577467 (READ-ONLY COPY).

The authoritative reference and input builder live on the scoring server;
editing this copy changes nothing except your own understanding.
"""

import jax, jax.numpy as jnp
import numpy as np

HIDDEN = 64
VOCAB_OUT = 1000
NUM_EMB = 32
B, L = 1024, 50

def setup_inputs(seed: int = 0) -> dict:
    key = jax.random.key(seed)
    k1, k2, k3 = jax.random.split(key, 3)
    input_ids = jax.random.randint(k1, (B, L), 0, NUM_EMB, dtype=jnp.int64 if jax.config.jax_enable_x64 else jnp.int32)
    emb_table = jax.random.normal(k2, (NUM_EMB, HIDDEN), dtype=jnp.float32)
    # torch nn.Linear(hidden, vocab, bias=False): weight shape [vocab, hidden]
    W = jax.random.normal(k3, (VOCAB_OUT, HIDDEN), dtype=jnp.float32) * (1.0 / np.sqrt(HIDDEN))
    return {"input_ids": input_ids, "emb_table": emb_table, "W": W}

def reference(input_ids, emb_table, W):
    # inputs_embeds = embedding(input_ids)
    inputs_embeds = jnp.take(emb_table, input_ids, axis=0)  # [B, L, H]
    # logits = proj(inputs_embeds) = inputs_embeds @ W.T
    logits = jnp.einsum('blh,vh->blv', inputs_embeds, W)  # [B, L, V]
    return logits

if __name__ == "__main__":
    import jax
    _d = setup_inputs()
    print(jax.jit(kernel)(*tuple(_d.values())))

</pallas_src>

<mosaic_0001>
#map = affine_map<(d0, d1) -> (0)>
#map1 = affine_map<(d0, d1) -> (0, 0, 0)>
module attributes {stable_mosaic.version = 14 : i64} {
  func.func @_sc_tgather_body(%arg0: i32, %arg1: i32, %arg2: memref<128000xf32, #tpu.memory_space<hbm>>, %arg3: memref<51200xi32, #tpu.memory_space<hbm>>, %arg4: memref<50x1000x1024xf32, #tpu.memory_space<hbm>>, %arg5: memref<4096xf32, #tpu.memory_space<vmem>>, %arg6: memref<51200xi32, #tpu.memory_space<vmem>>, %arg7: memref<32x1024xf32, #tpu.memory_space<vmem>>, %arg8: memref<32x1024xf32, #tpu.memory_space<vmem>>, %arg9: memref<!tpu.dma_semaphore, #tpu.memory_space<semaphore_mem>>, %arg10: memref<!tpu.dma_semaphore, #tpu.memory_space<semaphore_mem>>) attributes {dimension_semantics = [#tpu.dimension_semantics<core_parallel>, #tpu.dimension_semantics<subcore_parallel>], iteration_bounds = array<i64: 2, 16>, scalar_prefetch = 0 : i64, scratch_operands = 6 : i64, tpu.core_type = #tpu.core_type<sc_vector_subcore>, window_params = [{transform_indices = #map}, {transform_indices = #map}, {transform_indices = #map1}]} {
    %mul3A = arith.constant 2 : i32
    %mul3A_0 = arith.muli %arg1, %mul3A : i32
    %add3A = arith.addi %mul3A_0, %arg0 : i32
    %mul3A_1 = arith.constant 32 : i32
    %mul3A_2 = arith.muli %add3A, %mul3A_1 : i32
    %min3A = arith.constant 968 : i32
    %min3A_3 = arith.minsi %mul3A_2, %min3A : i32
    "tpu.region"() ({
      %run_scoped3A = tpu.sem_alloc : memref<!tpu.dma_semaphore, #tpu.memory_space<semaphore_mem>>
      tpu.enqueue_dma source(%arg3 : memref<51200xi32, #tpu.memory_space<hbm>>) target(%arg6 : memref<51200xi32, #tpu.memory_space<vmem>>) target_semaphore(%run_scoped3A : memref<!tpu.dma_semaphore, #tpu.memory_space<semaphore_mem>>)
      tpu.wait_dma2 semaphore(%run_scoped3A : memref<!tpu.dma_semaphore, #tpu.memory_space<semaphore_mem>>) src(%arg3 : memref<51200xi32, #tpu.memory_space<hbm>>) dst(%arg6 : memref<51200xi32, #tpu.memory_space<vmem>>)
      tpu.yield
    }) : () -> ()
    %mul3A_4 = arith.constant 128 : i32
    %mul3A_5 = arith.muli %min3A_3, %mul3A_4 : i32
    "tpu.region"() ({
      %run_scoped3A = tpu.sem_alloc : memref<!tpu.dma_semaphore, #tpu.memory_space<semaphore_mem>>
      %dma_start3A = tpu.memref_slice %arg2[%mul3A_5] : memref<128000xf32, #tpu.memory_space<hbm>> -> memref<4096xf32, #tpu.memory_space<hbm>>
      %dma_start3A_24 = tpu.memref_slice %arg2[%mul3A_5] : memref<128000xf32, #tpu.memory_space<hbm>> -> memref<4096xf32, #tpu.memory_space<hbm>>
      tpu.enqueue_dma source(%dma_start3A_24 : memref<4096xf32, #tpu.memory_space<hbm>>) target(%arg5 : memref<4096xf32, #tpu.memory_space<vmem>>) target_semaphore(%run_scoped3A : memref<!tpu.dma_semaphore, #tpu.memory_space<semaphore_mem>>)
      %dma_wait3A_25 = tpu.memref_slice %arg2[%mul3A_5] : memref<128000xf32, #tpu.memory_space<hbm>> -> memref<4096xf32, #tpu.memory_space<hbm>>
      %dma_wait3A_26 = tpu.memref_slice %arg2[%mul3A_5] : memref<128000xf32, #tpu.memory_space<hbm>> -> memref<4096xf32, #tpu.memory_space<hbm>>
      tpu.wait_dma2 semaphore(%run_scoped3A : memref<!tpu.dma_semaphore, #tpu.memory_space<semaphore_mem>>) src(%dma_wait3A_26 : memref<4096xf32, #tpu.memory_space<hbm>>) dst(%arg5 : memref<4096xf32, #tpu.memory_space<vmem>>)
      tpu.yield
    }) : () -> ()
    %scan3A = arith.constant 0 : i32
    %scan3A_6 = arith.constant 0 : i32
    %scan3A_7 = arith.constant 25 : i32
    %scan3A_8 = arith.addi %scan3A_6, %scan3A_7 : i32
    %scan3A_9 = arith.constant 1 : i32
    scf.for %scan3A_24 = %scan3A_6 to %scan3A_8 step %scan3A_9  : i32 {
      %mul3A_25 = arith.constant 2 : i32
      %mul3A_26 = arith.muli %mul3A_25, %scan3A_24 : i32
      %add3A_27 = arith.constant 1 : i32
      %add3A_28 = arith.addi %mul3A_26, %add3A_27 : i32
      %gt3A = arith.constant 0 : i32
      %gt3A_29 = arith.cmpi sgt, %scan3A_24, %gt3A : i32
      %convert_element_type3A = arith.extui %gt3A_29 : i1 to i32
      %cond3A = arith.constant 0 : i32
      %cond3A_30 = arith.cmpi ne, %convert_element_type3A, %cond3A : i32
      scf.if %cond3A_30 {
        %sub3A = arith.constant 2 : i32
        %sub3A_703 = arith.subi %mul3A_26, %sub3A : i32
        %dma_wait3A_704 = arith.constant 0 : i32
        %dma_wait3A_705 = tpu.memref_slice %arg4[%sub3A_703, %min3A_3, %dma_wait3A_704] : memref<50x1000x1024xf32, #tpu.memory_space<hbm>> -> memref<1x32x1024xf32, #tpu.memory_space<hbm>>
        %dma_wait3A_706 = tpu.memref_squeeze %dma_wait3A_705 : memref<1x32x1024xf32, #tpu.memory_space<hbm>> -> memref<32x1024xf32, #tpu.memory_space<hbm>>
        %dma_wait3A_707 = arith.constant 0 : i32
        %dma_wait3A_708 = tpu.memref_slice %arg4[%sub3A_703, %min3A_3, %dma_wait3A_707] : memref<50x1000x1024xf32, #tpu.memory_space<hbm>> -> memref<1x32x1024xf32, #tpu.memory_space<hbm>>
        %dma_wait3A_709 = tpu.memref_squeeze %dma_wait3A_708 : memref<1x32x1024xf32, #tpu.memory_space<hbm>> -> memref<32x1024xf32, #tpu.memory_space<hbm>>
        tpu.wait_dma2 semaphore(%arg9 : memref<!tpu.dma_semaphore, #tpu.memory_space<semaphore_mem>>) src(%arg7 : memref<32x1024xf32, #tpu.memory_space<vmem>>) dst(%dma_wait3A_709 : memref<32x1024xf32, #tpu.memory_space<hbm>>)
      } else {
      }
      %mul3A_31 = arith.constant 1024 : i32
      %mul3A_32 = arith.muli %mul3A_26, %mul3A_31 : i32
      %scan3A_33 = arith.constant 0 : i32
      %scan3A_34 = arith.constant 0 : i32
      %scan3A_35 = arith.constant 64 : i32
      %scan3A_36 = arith.addi %scan3A_34, %scan3A_35 : i32
      %scan3A_37 = arith.constant 1 : i32
      scf.for %scan3A_703 = %scan3A_34 to %scan3A_36 step %scan3A_37  : i32 {
        %mul3A_704 = arith.constant 16 : i32
        %mul3A_705 = arith.muli %scan3A_703, %mul3A_704 : i32
        %add3A_706 = arith.addi %mul3A_32, %mul3A_705 : i32
        %get3A_707 = arith.index_cast %add3A_706 : i32 to index
        %get3A_708 = tpu.vector_load %arg6[%get3A_707] {strides = array<i32>} : memref<51200xi32, #tpu.memory_space<vmem>>, vector<16xi32>,
        %add3A_709 = arith.constant 0 : i32
        %add3A_710 = vector.broadcast %add3A_709 : i32 to vector<16xi32>
        %add3A_711 = arith.addi %get3A_708, %add3A_710 : vector<16xi32>
        %gather3A = tpu.vector_load_idx %arg5[%add3A_711] : memref<4096xf32, #tpu.memory_space<vmem>>[vector<16xi32>], vector<16xf32>,
        %add3A_712 = arith.constant 128 : i32
        %add3A_713 = vector.broadcast %add3A_712 : i32 to vector<16xi32>
        %add3A_714 = arith.addi %get3A_708, %add3A_713 : vector<16xi32>
        %gather3A_715 = tpu.vector_load_idx %arg5[%add3A_714] : memref<4096xf32, #tpu.memory_space<vmem>>[vector<16xi32>], vector<16xf32>,
        %add3A_716 = arith.constant 256 : i32
        %add3A_717 = vector.broadcast %add3A_716 : i32 to vector<16xi32>
        %add3A_718 = arith.addi %get3A_708, %add3A_717 : vector<16xi32>
        %gather3A_719 = tpu.vector_load_idx %arg5[%add3A_718] : memref<4096xf32, #tpu.memory_space<vmem>>[vector<16xi32>], vector<16xf32>,
        %add3A_720 = arith.constant 384 : i32
        %add3A_721 = vector.broadcast %add3A_720 : i32 to vector<16xi32>
        %add3A_722 = arith.addi %get3A_708, %add3A_721 : vector<16xi32>
        %gather3A_723 = tpu.vector_load_idx %arg5[%add3A_722] : memref<4096xf32, #tpu.memory_space<vmem>>[vector<16xi32>], vector<16xf32>,
        %add3A_724 = arith.constant 512 : i32
        %add3A_725 = vector.broadcast %add3A_724 : i32 to vector<16xi32>
        %add3A_726 = arith.addi %get3A_708, %add3A_725 : vector<16xi32>
        %gather3A_727 = tpu.vector_load_idx %arg5[%add3A_726] : memref<4096xf32, #tpu.memory_space<vmem>>[vector<16xi32>], vector<16xf32>,
        %add3A_728 = arith.constant 640 : i32
        %add3A_729 = vector.broadcast %add3A_728 : i32 to vector<16xi32>
        %add3A_730 = arith.addi %get3A_708, %add3A_729 : vector<16xi32>
        %gather3A_731 = tpu.vector_load_idx %arg5[%add3A_730] : memref<4096xf32, #tpu.memory_space<vmem>>[vector<16xi32>], vector<16xf32>,
        %add3A_732 = arith.constant 768 : i32
        %add3A_733 = vector.broadcast %add3A_732 : i32 to vector<16xi32>
        %add3A_734 = arith.addi %get3A_708, %add3A_733 : vector<16xi32>
        %gather3A_735 = tpu.vector_load_idx %arg5[%add3A_734] : memref<4096xf32, #tpu.memory_space<vmem>>[vector<16xi32>], vector<16xf32>,
        %add3A_736 = arith.constant 896 : i32
        %add3A_737 = vector.broadcast %add3A_736 : i32 to vector<16xi32>
        %add3A_738 = arith.addi %get3A_708, %add3A_737 : vector<16xi32>
        %gather3A_739 = tpu.vector_load_idx %arg5[%add3A_738] : memref<4096xf32, #tpu.memory_space<vmem>>[vector<16xi32>], vector<16xf32>,
        %add3A_740 = arith.constant 1024 : i32
        %add3A_741 = vector.broadcast %add3A_740 : i32 to vector<16xi32>
        %add3A_742 = arith.addi %get3A_708, %add3A_741 : vector<16xi32>
        %gather3A_743 = tpu.vector_load_idx %arg5[%add3A_742] : memref<4096xf32, #tpu.memory_space<vmem>>[vector<16xi32>], vector<16xf32>,
        %add3A_744 = arith.constant 1152 : i32
        %add3A_745 = vector.broadcast %add3A_744 : i32 to vector<16xi32>
        %add3A_746 = arith.addi %get3A_708, %add3A_745 : vector<16xi32>
        %gather3A_747 = tpu.vector_load_idx %arg5[%add3A_746] : memref<4096xf32, #tpu.memory_space<vmem>>[vector<16xi32>], vector<16xf32>,
        %add3A_748 = arith.constant 1280 : i32
        %add3A_749 = vector.broadcast %add3A_748 : i32 to vector<16xi32>
        %add3A_750 = arith.addi %get3A_708, %add3A_749 : vector<16xi32>
        %gather3A_751 = tpu.vector_load_idx %arg5[%add3A_750] : memref<4096xf32, #tpu.memory_space<vmem>>[vector<16xi32>], vector<16xf32>,
        %add3A_752 = arith.constant 1408 : i32
        %add3A_753 = vector.broadcast %add3A_752 : i32 to vector<16xi32>
        %add3A_754 = arith.addi %get3A_708, %add3A_753 : vector<16xi32>
        %gather3A_755 = tpu.vector_load_idx %arg5[%add3A_754] : memref<4096xf32, #tpu.memory_space<vmem>>[vector<16xi32>], vector<16xf32>,
        %add3A_756 = arith.constant 1536 : i32
        %add3A_757 = vector.broadcast %add3A_756 : i32 to vector<16xi32>
        %add3A_758 = arith.addi %get3A_708, %add3A_757 : vector<16xi32>
        %gather3A_759 = tpu.vector_load_idx %arg5[%add3A_758] : memref<4096xf32, #tpu.memory_space<vmem>>[vector<16xi32>], vector<16xf32>,
        %add3A_760 = arith.constant 1664 : i32
        %add3A_761 = vector.broadcast %add3A_760 : i32 to vector<16xi32>
        %add3A_762 = arith.addi %get3A_708, %add3A_761 : vector<16xi32>
        %gather3A_763 = tpu.vector_load_idx %arg5[%add3A_762] : memref<4096xf32, #tpu.memory_space<vmem>>[vector<16xi32>], vector<16xf32>,
        %add3A_764 = arith.constant 1792 : i32
        %add3A_765 = vector.broadcast %add3A_764 : i32 to vector<16xi32>
        %add3A_766 = arith.addi %get3A_708, %add3A_765 : vector<16xi32>
        %gather3A_767 = tpu.vector_load_idx %arg5[%add3A_766] : memref<4096xf32, #tpu.memory_space<vmem>>[vector<16xi32>], vector<16xf32>,
        %add3A_768 = arith.constant 1920 : i32
        %add3A_769 = vector.broadcast %add3A_768 : i32 to vector<16xi32>
        %add3A_770 = arith.addi %get3A_708, %add3A_769 : vector<16xi32>
        %gather3A_771 = tpu.vector_load_idx %arg5[%add3A_770] : memref<4096xf32, #tpu.memory_space<vmem>>[vector<16xi32>], vector<16xf32>,
        %add3A_772 = arith.constant 2048 : i32
        %add3A_773 = vector.broadcast %add3A_772 : i32 to vector<16xi32>
        %add3A_774 = arith.addi %get3A_708, %add3A_773 : vector<16xi32>
        %gather3A_775 = tpu.vector_load_idx %arg5[%add3A_774] : memref<4096xf32, #tpu.memory_space<vmem>>[vector<16xi32>], vector<16xf32>,
        %add3A_776 = arith.constant 2176 : i32
        %add3A_777 = vector.broadcast %add3A_776 : i32 to vector<16xi32>
        %add3A_778 = arith.addi %get3A_708, %add3A_777 : vector<16xi32>
        %gather3A_779 = tpu.vector_load_idx %arg5[%add3A_778] : memref<4096xf32, #tpu.memory_space<vmem>>[vector<16xi32>], vector<16xf32>,
        %add3A_780 = arith.constant 2304 : i32
        %add3A_781 = vector.broadcast %add3A_780 : i32 to vector<16xi32>
        %add3A_782 = arith.addi %get3A_708, %add3A_781 : vector<16xi32>
        %gather3A_783 = tpu.vector_load_idx %arg5[%add3A_782] : memref<4096xf32, #tpu.memory_space<vmem>>[vector<16xi32>], vector<16xf32>,
        %add3A_784 = arith.constant 2432 : i32
        %add3A_785 = vector.broadcast %add3A_784 : i32 to vector<16xi32>
        %add3A_786 = arith.addi %get3A_708, %add3A_785 : vector<16xi32>
        %gather3A_787 = tpu.vector_load_idx %arg5[%add3A_786] : memref<4096xf32, #tpu.memory_space<vmem>>[vector<16xi32>], vector<16xf32>,
        %add3A_788 = arith.constant 2560 : i32
        %add3A_789 = vector.broadcast %add3A_788 : i32 to vector<16xi32>
        %add3A_790 = arith.addi %get3A_708, %add3A_789 : vector<16xi32>
        %gather3A_791 = tpu.vector_load_idx %arg5[%add3A_790] : memref<4096xf32, #tpu.memory_space<vmem>>[vector<16xi32>], vector<16xf32>,
        %add3A_792 = arith.constant 2688 : i32
        %add3A_793 = vector.broadcast %add3A_792 : i32 to vector<16xi32>
        %add3A_794 = arith.addi %get3A_708, %add3A_793 : vector<16xi32>
        %gather3A_795 = tpu.vector_load_idx %arg5[%add3A_794] : memref<4096xf32, #tpu.memory_space<vmem>>[vector<16xi32>], vector<16xf32>,
        %add3A_796 = arith.constant 2816 : i32
        %add3A_797 = vector.broadcast %add3A_796 : i32 to vector<16xi32>
        %add3A_798 = arith.addi %get3A_708, %add3A_797 : vector<16xi32>
        %gather3A_799 = tpu.vector_load_idx %arg5[%add3A_798] : memref<4096xf32, #tpu.memory_space<vmem>>[vector<16xi32>], vector<16xf32>,
        %add3A_800 = arith.constant 2944 : i32
        %add3A_801 = vector.broadcast %add3A_800 : i32 to vector<16xi32>
        %add3A_802 = arith.addi %get3A_708, %add3A_801 : vector<16xi32>
        %gather3A_803 = tpu.vector_load_idx %arg5[%add3A_802] : memref<4096xf32, #tpu.memory_space<vmem>>[vector<16xi32>], vector<16xf32>,
        %add3A_804 = arith.constant 3072 : i32
        %add3A_805 = vector.broadcast %add3A_804 : i32 to vector<16xi32>
        %add3A_806 = arith.addi %get3A_708, %add3A_805 : vector<16xi32>
        %gather3A_807 = tpu.vector_load_idx %arg5[%add3A_806] : memref<4096xf32, #tpu.memory_space<vmem>>[vector<16xi32>], vector<16xf32>,
        %add3A_808 = arith.constant 3200 : i32
        %add3A_809 = vector.broadcast %add3A_808 : i32 to vector<16xi32>
        %add3A_810 = arith.addi %get3A_708, %add3A_809 : vector<16xi32>
        %gather3A_811 = tpu.vector_load_idx %arg5[%add3A_810] : memref<4096xf32, #tpu.memory_space<vmem>>[vector<16xi32>], vector<16xf32>,
        %add3A_812 = arith.constant 3328 : i32
        %add3A_813 = vector.broadcast %add3A_812 : i32 to vector<16xi32>
        %add3A_814 = arith.addi %get3A_708, %add3A_813 : vector<16xi32>
        %gather3A_815 = tpu.vector_load_idx %arg5[%add3A_814] : memref<4096xf32, #tpu.memory_space<vmem>>[vector<16xi32>], vector<16xf32>,
        %add3A_816 = arith.constant 3456 : i32
        %add3A_817 = vector.broadcast %add3A_816 : i32 to vector<16xi32>
        %add3A_818 = arith.addi %get3A_708, %add3A_817 : vector<16xi32>
        %gather3A_819 = tpu.vector_load_idx %arg5[%add3A_818] : memref<4096xf32, #tpu.memory_space<vmem>>[vector<16xi32>], vector<16xf32>,
        %add3A_820 = arith.constant 3584 : i32
        %add3A_821 = vector.broadcast %add3A_820 : i32 to vector<16xi32>
        %add3A_822 = arith.addi %get3A_708, %add3A_821 : vector<16xi32>
        %gather3A_823 = tpu.vector_load_idx %arg5[%add3A_822] : memref<4096xf32, #tpu.memory_space<vmem>>[vector<16xi32>], vector<16xf32>,
        %add3A_824 = arith.constant 3712 : i32
        %add3A_825 = vector.broadcast %add3A_824 : i32 to vector<16xi32>
        %add3A_826 = arith.addi %get3A_708, %add3A_825 : vector<16xi32>
        %gather3A_827 = tpu.vector_load_idx %arg5[%add3A_826] : memref<4096xf32, #tpu.memory_space<vmem>>[vector<16xi32>], vector<16xf32>,
        %add3A_828 = arith.constant 3840 : i32
        %add3A_829 = vector.broadcast %add3A_828 : i32 to vector<16xi32>
        %add3A_830 = arith.addi %get3A_708, %add3A_829 : vector<16xi32>
        %gather3A_831 = tpu.vector_load_idx %arg5[%add3A_830] : memref<4096xf32, #tpu.memory_space<vmem>>[vector<16xi32>], vector<16xf32>,
        %add3A_832 = arith.constant 3968 : i32
        %add3A_833 = vector.broadcast %add3A_832 : i32 to vector<16xi32>
        %add3A_834 = arith.addi %get3A_708, %add3A_833 : vector<16xi32>
        %gather3A_835 = tpu.vector_load_idx %arg5[%add3A_834] : memref<4096xf32, #tpu.memory_space<vmem>>[vector<16xi32>], vector<16xf32>,
        %swap3A = arith.constant 0 : i32
        %swap3A_836 = arith.index_cast %swap3A : i32 to index
        %swap3A_837 = arith.index_cast %mul3A_705 : i32 to index
        %swap3A_838 = tpu.vector_load %arg7[%swap3A_836, %swap3A_837] {strides = array<i32>} : memref<32x1024xf32, #tpu.memory_space<vmem>>, vector<16xf32>,
        tpu.vector_store %arg7[%swap3A_836, %swap3A_837], %gather3A {strides = array<i32>} : memref<32x1024xf32, #tpu.memory_space<vmem>>, vector<16xf32>,
        %swap3A_839 = arith.constant 1 : i32
        %swap3A_840 = arith.index_cast %swap3A_839 : i32 to index
        %swap3A_841 = arith.index_cast %mul3A_705 : i32 to index
        %swap3A_842 = tpu.vector_load %arg7[%swap3A_840, %swap3A_841] {strides = array<i32>} : memref<32x1024xf32, #tpu.memory_space<vmem>>, vector<16xf32>,
        tpu.vector_store %arg7[%swap3A_840, %swap3A_841], %gather3A_715 {strides = array<i32>} : memref<32x1024xf32, #tpu.memory_space<vmem>>, vector<16xf32>,
        %swap3A_843 = arith.constant 2 : i32
        %swap3A_844 = arith.index_cast %swap3A_843 : i32 to index
        %swap3A_845 = arith.index_cast %mul3A_705 : i32 to index
        %swap3A_846 = tpu.vector_load %arg7[%swap3A_844, %swap3A_845] {strides = array<i32>} : memref<32x1024xf32, #tpu.memory_space<vmem>>, vector<16xf32>,
        tpu.vector_store %arg7[%swap3A_844, %swap3A_845], %gather3A_719 {strides = array<i32>} : memref<32x1024xf32, #tpu.memory_space<vmem>>, vector<16xf32>,
        %swap3A_847 = arith.constant 3 : i32
        %swap3A_848 = arith.index_cast %swap3A_847 : i32 to index
        %swap3A_849 = arith.index_cast %mul3A_705 : i32 to index
        %swap3A_850 = tpu.vector_load %arg7[%swap3A_848, %swap3A_849] {strides = array<i32>} : memref<32x1024xf32, #tpu.memory_space<vmem>>, vector<16xf32>,
        tpu.vector_store %arg7[%swap3A_848, %swap3A_849], %gather3A_723 {strides = array<i32>} : memref<32x1024xf32, #tpu.memory_space<vmem>>, vector<16xf32>,
        %swap3A_851 = arith.constant 4 : i32
        %swap3A_852 = arith.index_cast %swap3A_851 : i32 to index
        %swap3A_853 = arith.index_cast %mul3A_705 : i32 to index
        %swap3A_854 = tpu.vector_load %arg7[%swap3A_852, %swap3A_853] {strides = array<i32>} : memref<32x1024xf32, #tpu.memory_space<vmem>>, vector<16xf32>,
        tpu.vector_store %arg7[%swap3A_852, %swap3A_853], %gather3A_727 {strides = array<i32>} : memref<32x1024xf32, #tpu.memory_space<vmem>>, vector<16xf32>,
        %swap3A_855 = arith.constant 5 : i32
        %swap3A_856 = arith.index_cast %swap3A_855 : i32 to index
        %swap3A_857 = arith.index_cast %mul3A_705 : i32 to index
        %swap3A_858 = tpu.vector_load %arg7[%swap3A_856, %swap3A_857] {strides = array<i32>} : memref<32x1024xf32, #tpu.memory_space<vmem>>, vector<16xf32>,
        tpu.vector_store %arg7[%swap3A_856, %swap3A_857], %gather3A_731 {strides = array<i32>} : memref<32x1024xf32, #tpu.memory_space<vmem>>, vector<16xf32>,
        %swap3A_859 = arith.constant 6 : i32
        %swap3A_860 = arith.index_cast %swap3A_859 : i32 to index
        %swap3A_861 = arith.index_cast %mul3A_705 : i32 to index
        %swap3A_862 = tpu.vector_load %arg7[%swap3A_860, %swap3A_861] {strides = array<i32>} : memref<32x1024xf32, #tpu.memory_space<vmem>>, vector<16xf32>,
        tpu.vector_store %arg7[%swap3A_860, %swap3A_861], %gather3A_735 {strides = array<i32>} : memref<32x1024xf32, #tpu.memory_space<vmem>>, vector<16xf32>,
        %swap3A_863 = arith.constant 7 : i32
        %swap3A_864 = arith.index_cast %swap3A_863 : i32 to index
        %swap3A_865 = arith.index_cast %mul3A_705 : i32 to index
        %swap3A_866 = tpu.vector_load %arg7[%swap3A_864, %swap3A_865] {strides = array<i32>} : memref<32x1024xf32, #tpu.memory_space<vmem>>, vector<16xf32>,
        tpu.vector_store %arg7[%swap3A_864, %swap3A_865], %gather3A_739 {strides = array<i32>} : memref<32x1024xf32, #tpu.memory_space<vmem>>, vector<16xf32>,
        %swap3A_867 = arith.constant 8 : i32
        %swap3A_868 = arith.index_cast %swap3A_867 : i32 to index
        %swap3A_869 = arith.index_cast %mul3A_705 : i32 to index
        %swap3A_870 = tpu.vector_load %arg7[%swap3A_868, %swap3A_869] {strides = array<i32>} : memref<32x1024xf32, #tpu.memory_space<vmem>>, vector<16xf32>,
        tpu.vector_store %arg7[%swap3A_868, %swap3A_869], %gather3A_743 {strides = array<i32>} : memref<32x1024xf32, #tpu.memory_space<vmem>>, vector<16xf32>,
        %swap3A_871 = arith.constant 9 : i32
        %swap3A_872 = arith.index_cast %swap3A_871 : i32 to index
        %swap3A_873 = arith.index_cast %mul3A_705 : i32 to index
        %swap3A_874 = tpu.vector_load %arg7[%swap3A_872, %swap3A_873] {strides = array<i32>} : memref<32x1024xf32, #tpu.memory_space<vmem>>, vector<16xf32>,
        tpu.vector_store %arg7[%swap3A_872, %swap3A_873], %gather3A_747 {strides = array<i32>} : memref<32x1024xf32, #tpu.memory_space<vmem>>, vector<16xf32>,
        %swap3A_875 = arith.constant 10 : i32
        %swap3A_876 = arith.index_cast %swap3A_875 : i32 to index
        %swap3A_877 = arith.index_cast %mul3A_705 : i32 to index
        %swap3A_878 = tpu.vector_load %arg7[%swap3A_876, %swap3A_877] {strides = array<i32>} : memref<32x1024xf32, #tpu.memory_space<vmem>>, vector<16xf32>,
        tpu.vector_store %arg7[%swap3A_876, %swap3A_877], %gather3A_751 {strides = array<i32>} : memref<32x1024xf32, #tpu.memory_space<vmem>>, vector<16xf32>,
        %swap3A_879 = arith.constant 11 : i32
        %swap3A_880 = arith.index_cast %swap3A_879 : i32 to index
        %swap3A_881 = arith.index_cast %mul3A_705 : i32 to index
        %swap3A_882 = tpu.vector_load %arg7[%swap3A_880, %swap3A_881] {strides = array<i32>} : memref<32x1024xf32, #tpu.memory_space<vmem>>, vector<16xf32>,
        tpu.vector_store %arg7[%swap3A_880, %swap3A_881], %gather3A_755 {strides = array<i32>} : memref<32x1024xf32, #tpu.memory_space<vmem>>, vector<16xf32>,
        %swap3A_883 = arith.constant 12 : i32
        %swap3A_884 = arith.index_cast %swap3A_883 : i32 to index
        %swap3A_885 = arith.index_cast %mul3A_705 : i32 to index
        %swap3A_886 = tpu.vector_load %arg7[%swap3A_884, %swap3A_885] {strides = array<i32>} : memref<32x1024xf32, #tpu.memory_space<vmem>>, vector<16xf32>,
        tpu.vector_store %arg7[%swap3A_884, %swap3A_885], %gather3A_759 {strides = array<i32>} : memref<32x1024xf32, #tpu.memory_space<vmem>>, vector<16xf32>,
        %swap3A_887 = arith.constant 13 : i32
        %swap3A_888 = arith.index_cast %swap3A_887 : i32 to index
        %swap3A_889 = arith.index_cast %mul3A_705 : i32 to index
        %swap3A_890 = tpu.vector_load %arg7[%swap3A_888, %swap3A_889] {strides = array<i32>} : memref<32x1024xf32, #tpu.memory_space<vmem>>, vector<16xf32>,
        tpu.vector_store %arg7[%swap3A_888, %swap3A_889], %gather3A_763 {strides = array<i32>} : memref<32x1024xf32, #tpu.memory_space<vmem>>, vector<16xf32>,
        %swap3A_891 = arith.constant 14 : i32
        %swap3A_892 = arith.index_cast %swap3A_891 : i32 to index
        %swap3A_893 = arith.index_cast %mul3A_705 : i32 to index
        %swap3A_894 = tpu.vector_load %arg7[%swap3A_892, %swap3A_893] {strides = array<i32>} : memref<32x1024xf32, #tpu.memory_space<vmem>>, vector<16xf32>,
        tpu.vector_store %arg7[%swap3A_892, %swap3A_893], %gather3A_767 {strides = array<i32>} : memref<32x1024xf32, #tpu.memory_space<vmem>>, vector<16xf32>,
        %swap3A_895 = arith.constant 15 : i32
        %swap3A_896 = arith.index_cast %swap3A_895 : i32 to index
        %swap3A_897 = arith.index_cast %mul3A_705 : i32 to index
        %swap3A_898 = tpu.vector_load %arg7[%swap3A_896, %swap3A_897] {strides = array<i32>} : memref<32x1024xf32, #tpu.memory_space<vmem>>, vector<16xf32>,
        tpu.vector_store %arg7[%swap3A_896, %swap3A_897], %gather3A_771 {strides = array<i32>} : memref<32x1024xf32, #tpu.memory_space<vmem>>, vector<16xf32>,
        %swap3A_899 = arith.constant 16 : i32
        %swap3A_900 = arith.index_cast %swap3A_899 : i32 to index
        %swap3A_901 = arith.index_cast %mul3A_705 : i32 to index
        %swap3A_902 = tpu.vector_load %arg7[%swap3A_900, %swap3A_901] {strides = array<i32>} : memref<32x1024xf32, #tpu.memory_space<vmem>>, vector<16xf32>,
        tpu.vector_store %arg7[%swap3A_900, %swap3A_901], %gather3A_775 {strides = array<i32>} : memref<32x1024xf32, #tpu.memory_space<vmem>>, vector<16xf32>,
        %swap3A_903 = arith.constant 17 : i32
        %swap3A_904 = arith.index_cast %swap3A_903 : i32 to index
        %swap3A_905 = arith.index_cast %mul3A_705 : i32 to index
        %swap3A_906 = tpu.vector_load %arg7[%swap3A_904, %swap3A_905] {strides = array<i32>} : memref<32x1024xf32, #tpu.memory_space<vmem>>, vector<16xf32>,
        tpu.vector_store %arg7[%swap3A_904, %swap3A_905], %gather3A_779 {strides = array<i32>} : memref<32x1024xf32, #tpu.memory_space<vmem>>, vector<16xf32>,
        %swap3A_907 = arith.constant 18 : i32
        %swap3A_908 = arith.index_cast %swap3A_907 : i32 to index
        %swap3A_909 = arith.index_cast %mul3A_705 : i32 to index
        %swap3A_910 = tpu.vector_load %arg7[%swap3A_908, %swap3A_909] {strides = array<i32>} : memref<32x1024xf32, #tpu.memory_space<vmem>>, vector<16xf32>,
        tpu.vector_store %arg7[%swap3A_908, %swap3A_909], %gather3A_783 {strides = array<i32>} : memref<32x1024xf32, #tpu.memory_space<vmem>>, vector<16xf32>,
        %swap3A_911 = arith.constant 19 : i32
        %swap3A_912 = arith.index_cast %swap3A_911 : i32 to index
        %swap3A_913 = arith.index_cast %mul3A_705 : i32 to index
        %swap3A_914 = tpu.vector_load %arg7[%swap3A_912, %swap3A_913] {strides = array<i32>} : memref<32x1024xf32, #tpu.memory_space<vmem>>, vector<16xf32>,
        tpu.vector_store %arg7[%swap3A_912, %swap3A_913], %gather3A_787 {strides = array<i32>} : memref<32x1024xf32, #tpu.memory_space<vmem>>, vector<16xf32>,
        %swap3A_915 = arith.constant 20 : i32
        %swap3A_916 = arith.index_cast %swap3A_915 : i32 to index
        %swap3A_917 = arith.index_cast %mul3A_705 : i32 to index
        %swap3A_918 = tpu.vector_load %arg7[%swap3A_916, %swap3A_917] {strides = array<i32>} : memref<32x1024xf32, #tpu.memory_space<vmem>>, vector<16xf32>,
        tpu.vector_store %arg7[%swap3A_916, %swap3A_917], %gather3A_791 {strides = array<i32>} : memref<32x1024xf32, #tpu.memory_space<vmem>>, vector<16xf32>,
        %swap3A_919 = arith.constant 21 : i32
        %swap3A_920 = arith.index_cast %swap3A_919 : i32 to index
        %swap3A_921 = arith.index_cast %mul3A_705 : i32 to index
        %swap3A_922 = tpu.vector_load %arg7[%swap3A_920, %swap3A_921] {strides = array<i32>} : memref<32x1024xf32, #tpu.memory_space<vmem>>, vector<16xf32>,
        tpu.vector_store %arg7[%swap3A_920, %swap3A_921], %gather3A_795 {strides = array<i32>} : memref<32x1024xf32, #tpu.memory_space<vmem>>, vector<16xf32>,
        %swap3A_923 = arith.constant 22 : i32
        %swap3A_924 = arith.index_cast %swap3A_923 : i32 to index
        %swap3A_925 = arith.index_cast %mul3A_705 : i32 to index
        %swap3A_926 = tpu.vector_load %arg7[%swap3A_924, %swap3A_925] {strides = array<i32>} : memref<32x1024xf32, #tpu.memory_space<vmem>>, vector<16xf32>,
        tpu.vector_store %arg7[%swap3A_924, %swap3A_925], %gather3A_799 {strides = array<i32>} : memref<32x1024xf32, #tpu.memory_space<vmem>>, vector<16xf32>,
        %swap3A_927 = arith.constant 23 : i32
        %swap3A_928 = arith.index_cast %swap3A_927 : i32 to index
        %swap3A_929 = arith.index_cast %mul3A_705 : i32 to index
        %swap3A_930 = tpu.vector_load %arg7[%swap3A_928, %swap3A_929] {strides = array<i32>} : memref<32x1024xf32, #tpu.memory_space<vmem>>, vector<16xf32>,
        tpu.vector_store %arg7[%swap3A_928, %swap3A_929], %gather3A_803 {strides = array<i32>} : memref<32x1024xf32, #tpu.memory_space<vmem>>, vector<16xf32>,
        %swap3A_931 = arith.constant 24 : i32
        %swap3A_932 = arith.index_cast %swap3A_931 : i32 to index
        %swap3A_933 = arith.index_cast %mul3A_705 : i32 to index
        %swap3A_934 = tpu.vector_load %arg7[%swap3A_932, %swap3A_933] {strides = array<i32>} : memref<32x1024xf32, #tpu.memory_space<vmem>>, vector<16xf32>,
        tpu.vector_store %arg7[%swap3A_932, %swap3A_933], %gather3A_807 {strides = array<i32>} : memref<32x1024xf32, #tpu.memory_space<vmem>>, vector<16xf32>,
        %swap3A_935 = arith.constant 25 : i32
        %swap3A_936 = arith.index_cast %swap3A_935 : i32 to index
        %swap3A_937 = arith.index_cast %mul3A_705 : i32 to index
        %swap3A_938 = tpu.vector_load %arg7[%swap3A_936, %swap3A_937] {strides = array<i32>} : memref<32x1024xf32, #tpu.memory_space<vmem>>, vector<16xf32>,
        tpu.vector_store %arg7[%swap3A_936, %swap3A_937], %gather3A_811 {strides = array<i32>} : memref<32x1024xf32, #tpu.memory_space<vmem>>, vector<16xf32>,
        %swap3A_939 = arith.constant 26 : i32
        %swap3A_940 = arith.index_cast %swap3A_939 : i32 to index
        %swap3A_941 = arith.index_cast %mul3A_705 : i32 to index
        %swap3A_942 = tpu.vector_load %arg7[%swap3A_940, %swap3A_941] {strides = array<i32>} : memref<32x1024xf32, #tpu.memory_space<vmem>>, vector<16xf32>,
        tpu.vector_store %arg7[%swap3A_940, %swap3A_941], %gather3A_815 {strides = array<i32>} : memref<32x1024xf32, #tpu.memory_space<vmem>>, vector<16xf32>,
        %swap3A_943 = arith.constant 27 : i32
        %swap3A_944 = arith.index_cast %swap3A_943 : i32 to index
        %swap3A_945 = arith.index_cast %mul3A_705 : i32 to index
        %swap3A_946 = tpu.vector_load %arg7[%swap3A_944, %swap3A_945] {strides = array<i32>} : memref<32x1024xf32, #tpu.memory_space<vmem>>, vector<16xf32>,
        tpu.vector_store %arg7[%swap3A_944, %swap3A_945], %gather3A_819 {strides = array<i32>} : memref<32x1024xf32, #tpu.memory_space<vmem>>, vector<16xf32>,
        %swap3A_947 = arith.constant 28 : i32
        %swap3A_948 = arith.index_cast %swap3A_947 : i32 to index
        %swap3A_949 = arith.index_cast %mul3A_705 : i32 to index
        %swap3A_950 = tpu.vector_load %arg7[%swap3A_948, %swap3A_949] {strides = array<i32>} : memref<32x1024xf32, #tpu.memory_space<vmem>>, vector<16xf32>,
        tpu.vector_store %arg7[%swap3A_948, %swap3A_949], %gather3A_823 {strides = array<i32>} : memref<32x1024xf32, #tpu.memory_space<vmem>>, vector<16xf32>,
        %swap3A_951 = arith.constant 29 : i32
        %swap3A_952 = arith.index_cast %swap3A_951 : i32 to index
        %swap3A_953 = arith.index_cast %mul3A_705 : i32 to index
        %swap3A_954 = tpu.vector_load %arg7[%swap3A_952, %swap3A_953] {strides = array<i32>} : memref<32x1024xf32, #tpu.memory_space<vmem>>, vector<16xf32>,
        tpu.vector_store %arg7[%swap3A_952, %swap3A_953], %gather3A_827 {strides = array<i32>} : memref<32x1024xf32, #tpu.memory_space<vmem>>, vector<16xf32>,
        %swap3A_955 = arith.constant 30 : i32
        %swap3A_956 = arith.index_cast %swap3A_955 : i32 to index
        %swap3A_957 = arith.index_cast %mul3A_705 : i32 to index
        %swap3A_958 = tpu.vector_load %arg7[%swap3A_956, %swap3A_957] {strides = array<i32>} : memref<32x1024xf32, #tpu.memory_space<vmem>>, vector<16xf32>,
        tpu.vector_store %arg7[%swap3A_956, %swap3A_957], %gather3A_831 {strides = array<i32>} : memref<32x1024xf32, #tpu.memory_space<vmem>>, vector<16xf32>,
        %swap3A_959 = arith.constant 31 : i32
        %swap3A_960 = arith.index_cast %swap3A_959 : i32 to index
        %swap3A_961 = arith.index_cast %mul3A_705 : i32 to index
        %swap3A_962 = tpu.vector_load %arg7[%swap3A_960, %swap3A_961] {strides = array<i32>} : memref<32x1024xf32, #tpu.memory_space<vmem>>, vector<16xf32>,
        tpu.vector_store %arg7[%swap3A_960, %swap3A_961], %gather3A_835 {strides = array<i32>} : memref<32x1024xf32, #tpu.memory_space<vmem>>, vector<16xf32>,
      }
      %scan3A_38 = arith.constant 64 : i32
      %get3A = arith.constant 0 : i32
      %get3A_39 = arith.index_cast %get3A : i32 to index
      %get3A_40 = arith.constant 1008 : index
      %get3A_41 = tpu.vector_load %arg7[%get3A_39, %get3A_40] {strides = array<i32>} : memref<32x1024xf32, #tpu.memory_space<vmem>>, vector<16xf32>,
      %get3A_42 = arith.constant 1 : i32
      %get3A_43 = arith.index_cast %get3A_42 : i32 to index
      %get3A_44 = arith.constant 1008 : index
      %get3A_45 = tpu.vector_load %arg7[%get3A_43, %get3A_44] {strides = array<i32>} : memref<32x1024xf32, #tpu.memory_space<vmem>>, vector<16xf32>,
      %add3A_46 = arith.addf %get3A_41, %get3A_45 : vector<16xf32>
      %get3A_47 = arith.constant 2 : i32
      %get3A_48 = arith.index_cast %get3A_47 : i32 to index
      %get3A_49 = arith.constant 1008 : index
      %get3A_50 = tpu.vector_load %arg7[%get3A_48, %get3A_49] {strides = array<i32>} : memref<32x1024xf32, #tpu.memory_space<vmem>>, vector<16xf32>,
      %add3A_51 = arith.addf %add3A_46, %get3A_50 : vector<16xf32>
      %get3A_52 = arith.constant 3 : i32
      %get3A_53 = arith.index_cast %get3A_52 : i32 to index
      %get3A_54 = arith.constant 1008 : index
      %get3A_55 = tpu.vector_load %arg7[%get3A_53, %get3A_54] {strides = array<i32>} : memref<32x1024xf32, #tpu.memory_space<vmem>>, vector<16xf32>,
      %add3A_56 = arith.addf %add3A_51, %get3A_55 : vector<16xf32>
      %get3A_57 = arith.constant 4 : i32
      %get3A_58 = arith.index_cast %get3A_57 : i32 to index
      %get3A_59 = arith.constant 1008 : index
      %get3A_60 = tpu.vector_load %arg7[%get3A_58, %get3A_59] {strides = array<i32>} : memref<32x1024xf32, #tpu.memory_space<vmem>>, vector<16xf32>,
      %add3A_61 = arith.addf %add3A_56, %get3A_60 : vector<16xf32>
      %get3A_62 = arith.constant 5 : i32
      %get3A_63 = arith.index_cast %get3A_62 : i32 to index
      %get3A_64 = arith.constant 1008 : index
      %get3A_65 = tpu.vector_load %arg7[%get3A_63, %get3A_64] {strides = array<i32>} : memref<32x1024xf32, #tpu.memory_space<vmem>>, vector<16xf32>,
      %add3A_66 = arith.addf %add3A_61, %get3A_65 : vector<16xf32>
      %get3A_67 = arith.constant 6 : i32
      %get3A_68 = arith.index_cast %get3A_67 : i32 to index
      %get3A_69 = arith.constant 1008 : index
      %get3A_70 = tpu.vector_load %arg7[%get3A_68, %get3A_69] {strides = array<i32>} : memref<32x1024xf32, #tpu.memory_space<vmem>>, vector<16xf32>,
      %add3A_71 = arith.addf %add3A_66, %get3A_70 : vector<16xf32>
      %get3A_72 = arith.constant 7 : i32
      %get3A_73 = arith.index_cast %get3A_72 : i32 to index
      %get3A_74 = arith.constant 1008 : index
      %get3A_75 = tpu.vector_load %arg7[%get3A_73, %get3A_74] {strides = array<i32>} : memref<32x1024xf32, #tpu.memory_space<vmem>>, vector<16xf32>,
      %add3A_76 = arith.addf %add3A_71, %get3A_75 : vector<16xf32>
      %get3A_77 = arith.constant 8 : i32
      %get3A_78 = arith.index_cast %get3A_77 : i32 to index
      %get3A_79 = arith.constant 1008 : index
      %get3A_80 = tpu.vector_load %arg7[%get3A_78, %get3A_79] {strides = array<i32>} : memref<32x1024xf32, #tpu.memory_space<vmem>>, vector<16xf32>,
      %add3A_81 = arith.addf %add3A_76, %get3A_80 : vector<16xf32>
      %get3A_82 = arith.constant 9 : i32
      %get3A_83 = arith.index_cast %get3A_82 : i32 to index
      %get3A_84 = arith.constant 1008 : index
      %get3A_85 = tpu.vector_load %arg7[%get3A_83, %get3A_84] {strides = array<i32>} : memref<32x1024xf32, #tpu.memory_space<vmem>>, vector<16xf32>,
      %add3A_86 = arith.addf %add3A_81, %get3A_85 : vector<16xf32>
      %get3A_87 = arith.constant 10 : i32
      %get3A_88 = arith.index_cast %get3A_87 : i32 to index
      %get3A_89 = arith.constant 1008 : index
      %get3A_90 = tpu.vector_load %arg7[%get3A_88, %get3A_89] {strides = array<i32>} : memref<32x1024xf32, #tpu.memory_space<vmem>>, vector<16xf32>,
      %add3A_91 = arith.addf %add3A_86, %get3A_90 : vector<16xf32>
      %get3A_92 = arith.constant 11 : i32
      %get3A_93 = arith.index_cast %get3A_92 : i32 to index
      %get3A_94 = arith.constant 1008 : index
      %get3A_95 = tpu.vector_load %arg7[%get3A_93, %get3A_94] {strides = array<i32>} : memref<32x1024xf32, #tpu.memory_space<vmem>>, vector<16xf32>,
      %add3A_96 = arith.addf %add3A_91, %get3A_95 : vector<16xf32>
      %get3A_97 = arith.constant 12 : i32
      %get3A_98 = arith.index_cast %get3A_97 : i32 to index
      %get3A_99 = arith.constant 1008 : index
      %get3A_100 = tpu.vector_load %arg7[%get3A_98, %get3A_99] {strides = array<i32>} : memref<32x1024xf32, #tpu.memory_space<vmem>>, vector<16xf32>,
      %add3A_101 = arith.addf %add3A_96, %get3A_100 : vector<16xf32>
      %get3A_102 = arith.constant 13 : i32
      %get3A_103 = arith.index_cast %get3A_102 : i32 to index
      %get3A_104 = arith.constant 1008 : index
      %get3A_105 = tpu.vector_load %arg7[%get3A_103, %get3A_104] {strides = array<i32>} : memref<32x1024xf32, #tpu.memory_space<vmem>>, vector<16xf32>,
      %add3A_106 = arith.addf %add3A_101, %get3A_105 : vector<16xf32>
      %get3A_107 = arith.constant 14 : i32
      %get3A_108 = arith.index_cast %get3A_107 : i32 to index
      %get3A_109 = arith.constant 1008 : index
      %get3A_110 = tpu.vector_load %arg7[%get3A_108, %get3A_109] {strides = array<i32>} : memref<32x1024xf32, #tpu.memory_space<vmem>>, vector<16xf32>,
      %add3A_111 = arith.addf %add3A_106, %get3A_110 : vector<16xf32>
      %get3A_112 = arith.constant 15 : i32
      %get3A_113 = arith.index_cast %get3A_112 : i32 to index
      %get3A_114 = arith.constant 1008 : index
      %get3A_115 = tpu.vector_load %arg7[%get3A_113, %get3A_114] {strides = array<i32>} : memref<32x1024xf32, #tpu.memory_space<vmem>>, vector<16xf32>,
      %add3A_116 = arith.addf %add3A_111, %get3A_115 : vector<16xf32>
      %get3A_117 = arith.constant 16 : i32
      %get3A_118 = arith.index_cast %get3A_117 : i32 to index
      %get3A_119 = arith.constant 1008 : index
      %get3A_120 = tpu.vector_load %arg7[%get3A_118, %get3A_119] {strides = array<i32>} : memref<32x1024xf32, #tpu.memory_space<vmem>>, vector<16xf32>,
      %add3A_121 = arith.addf %add3A_116, %get3A_120 : vector<16xf32>
      %get3A_122 = arith.constant 17 : i32
      %get3A_123 = arith.index_cast %get3A_122 : i32 to index
      %get3A_124 = arith.constant 1008 : index
      %get3A_125 = tpu.vector_load %arg7[%get3A_123, %get3A_124] {strides = array<i32>} : memref<32x1024xf32, #tpu.memory_space<vmem>>, vector<16xf32>,
      %add3A_126 = arith.addf %add3A_121, %get3A_125 : vector<16xf32>
      %get3A_127 = arith.constant 18 : i32
      %get3A_128 = arith.index_cast %get3A_127 : i32 to index
      %get3A_129 = arith.constant 1008 : index
      %get3A_130 = tpu.vector_load %arg7[%get3A_128, %get3A_129] {strides = array<i32>} : memref<32x1024xf32, #tpu.memory_space<vmem>>, vector<16xf32>,
      %add3A_131 = arith.addf %add3A_126, %get3A_130 : vector<16xf32>
      %get3A_132 = arith.constant 19 : i32
      %get3A_133 = arith.index_cast %get3A_132 : i32 to index
      %get3A_134 = arith.constant 1008 : index
      %get3A_135 = tpu.vector_load %arg7[%get3A_133, %get3A_134] {strides = array<i32>} : memref<32x1024xf32, #tpu.memory_space<vmem>>, vector<16xf32>,
      %add3A_136 = arith.addf %add3A_131, %get3A_135 : vector<16xf32>
      %get3A_137 = arith.constant 20 : i32
      %get3A_138 = arith.index_cast %get3A_137 : i32 to index
      %get3A_139 = arith.constant 1008 : index
      %get3A_140 = tpu.vector_load %arg7[%get3A_138, %get3A_139] {strides = array<i32>} : memref<32x1024xf32, #tpu.memory_space<vmem>>, vector<16xf32>,
      %add3A_141 = arith.addf %add3A_136, %get3A_140 : vector<16xf32>
      %get3A_142 = arith.constant 21 : i32
      %get3A_143 = arith.index_cast %get3A_142 : i32 to index
      %get3A_144 = arith.constant 1008 : index
      %get3A_145 = tpu.vector_load %arg7[%get3A_143, %get3A_144] {strides = array<i32>} : memref<32x1024xf32, #tpu.memory_space<vmem>>, vector<16xf32>,
      %add3A_146 = arith.addf %add3A_141, %get3A_145 : vector<16xf32>
      %get3A_147 = arith.constant 22 : i32
      %get3A_148 = arith.index_cast %get3A_147 : i32 to index
      %get3A_149 = arith.constant 1008 : index
      %get3A_150 = tpu.vector_load %arg7[%get3A_148, %get3A_149] {strides = array<i32>} : memref<32x1024xf32, #tpu.memory_space<vmem>>, vector<16xf32>,
      %add3A_151 = arith.addf %add3A_146, %get3A_150 : vector<16xf32>
      %get3A_152 = arith.constant 23 : i32
      %get3A_153 = arith.index_cast %get3A_152 : i32 to index
      %get3A_154 = arith.constant 1008 : index
      %get3A_155 = tpu.vector_load %arg7[%get3A_153, %get3A_154] {strides = array<i32>} : memref<32x1024xf32, #tpu.memory_space<vmem>>, vector<16xf32>,
      %add3A_156 = arith.addf %add3A_151, %get3A_155 : vector<16xf32>
      %get3A_157 = arith.constant 24 : i32
      %get3A_158 = arith.index_cast %get3A_157 : i32 to index
      %get3A_159 = arith.constant 1008 : index
      %get3A_160 = tpu.vector_load %arg7[%get3A_158, %get3A_159] {strides = array<i32>} : memref<32x1024xf32, #tpu.memory_space<vmem>>, vector<16xf32>,
      %add3A_161 = arith.addf %add3A_156, %get3A_160 : vector<16xf32>
      %get3A_162 = arith.constant 25 : i32
      %get3A_163 = arith.index_cast %get3A_162 : i32 to index
      %get3A_164 = arith.constant 1008 : index
      %get3A_165 = tpu.vector_load %arg7[%get3A_163, %get3A_164] {strides = array<i32>} : memref<32x1024xf32, #tpu.memory_space<vmem>>, vector<16xf32>,
      %add3A_166 = arith.addf %add3A_161, %get3A_165 : vector<16xf32>
      %get3A_167 = arith.constant 26 : i32
      %get3A_168 = arith.index_cast %get3A_167 : i32 to index
      %get3A_169 = arith.constant 1008 : index
      %get3A_170 = tpu.vector_load %arg7[%get3A_168, %get3A_169] {strides = array<i32>} : memref<32x1024xf32, #tpu.memory_space<vmem>>, vector<16xf32>,
      %add3A_171 = arith.addf %add3A_166, %get3A_170 : vector<16xf32>
      %get3A_172 = arith.constant 27 : i32
      %get3A_173 = arith.index_cast %get3A_172 : i32 to index
      %get3A_174 = arith.constant 1008 : index
      %get3A_175 = tpu.vector_load %arg7[%get3A_173, %get3A_174] {strides = array<i32>} : memref<32x1024xf32, #tpu.memory_space<vmem>>, vector<16xf32>,
      %add3A_176 = arith.addf %add3A_171, %get3A_175 : vector<16xf32>
      %get3A_177 = arith.constant 28 : i32
      %get3A_178 = arith.index_cast %get3A_177 : i32 to index
      %get3A_179 = arith.constant 1008 : index
      %get3A_180 = tpu.vector_load %arg7[%get3A_178, %get3A_179] {strides = array<i32>} : memref<32x1024xf32, #tpu.memory_space<vmem>>, vector<16xf32>,
      %add3A_181 = arith.addf %add3A_176, %get3A_180 : vector<16xf32>
      %get3A_182 = arith.constant 29 : i32
      %get3A_183 = arith.index_cast %get3A_182 : i32 to index
      %get3A_184 = arith.constant 1008 : index
      %get3A_185 = tpu.vector_load %arg7[%get3A_183, %get3A_184] {strides = array<i32>} : memref<32x1024xf32, #tpu.memory_space<vmem>>, vector<16xf32>,
      %add3A_186 = arith.addf %add3A_181, %get3A_185 : vector<16xf32>
      %get3A_187 = arith.constant 30 : i32
      %get3A_188 = arith.index_cast %get3A_187 : i32 to index
      %get3A_189 = arith.constant 1008 : index
      %get3A_190 = tpu.vector_load %arg7[%get3A_188, %get3A_189] {strides = array<i32>} : memref<32x1024xf32, #tpu.memory_space<vmem>>, vector<16xf32>,
      %add3A_191 = arith.addf %add3A_186, %get3A_190 : vector<16xf32>
      %get3A_192 = arith.constant 31 : i32
      %get3A_193 = arith.index_cast %get3A_192 : i32 to index
      %get3A_194 = arith.constant 1008 : index
      %get3A_195 = tpu.vector_load %arg7[%get3A_193, %get3A_194] {strides = array<i32>} : memref<32x1024xf32, #tpu.memory_space<vmem>>, vector<16xf32>,
      %add3A_196 = arith.addf %add3A_191, %get3A_195 : vector<16xf32>
      %get3A_197 = arith.constant 0 : i32
      %get3A_198 = arith.index_cast %get3A_197 : i32 to index
      %get3A_199 = arith.constant 992 : index
      %get3A_200 = tpu.vector_load %arg7[%get3A_198, %get3A_199] {strides = array<i32>} : memref<32x1024xf32, #tpu.memory_space<vmem>>, vector<16xf32>,
      %add3A_201 = arith.addf %add3A_196, %get3A_200 : vector<16xf32>
      %get3A_202 = arith.constant 1 : i32
      %get3A_203 = arith.index_cast %get3A_202 : i32 to index
      %get3A_204 = arith.constant 992 : index
      %get3A_205 = tpu.vector_load %arg7[%get3A_203, %get3A_204] {strides = array<i32>} : memref<32x1024xf32, #tpu.memory_space<vmem>>, vector<16xf32>,
      %add3A_206 = arith.addf %add3A_201, %get3A_205 : vector<16xf32>
      %get3A_207 = arith.constant 2 : i32
      %get3A_208 = arith.index_cast %get3A_207 : i32 to index
      %get3A_209 = arith.constant 992 : index
      %get3A_210 = tpu.vector_load %arg7[%get3A_208, %get3A_209] {strides = array<i32>} : memref<32x1024xf32, #tpu.memory_space<vmem>>, vector<16xf32>,
      %add3A_211 = arith.addf %add3A_206, %get3A_210 : vector<16xf32>
      %get3A_212 = arith.constant 3 : i32
      %get3A_213 = arith.index_cast %get3A_212 : i32 to index
      %get3A_214 = arith.constant 992 : index
      %get3A_215 = tpu.vector_load %arg7[%get3A_213, %get3A_214] {strides = array<i32>} : memref<32x1024xf32, #tpu.memory_space<vmem>>, vector<16xf32>,
      %add3A_216 = arith.addf %add3A_211, %get3A_215 : vector<16xf32>
      %get3A_217 = arith.constant 4 : i32
      %get3A_218 = arith.index_cast %get3A_217 : i32 to index
      %get3A_219 = arith.constant 992 : index
      %get3A_220 = tpu.vector_load %arg7[%get3A_218, %get3A_219] {strides = array<i32>} : memref<32x1024xf32, #tpu.memory_space<vmem>>, vector<16xf32>,
      %add3A_221 = arith.addf %add3A_216, %get3A_220 : vector<16xf32>
      %get3A_222 = arith.constant 5 : i32
      %get3A_223 = arith.index_cast %get3A_222 : i32 to index
      %get3A_224 = arith.constant 992 : index
      %get3A_225 = tpu.vector_load %arg7[%get3A_223, %get3A_224] {strides = array<i32>} : memref<32x1024xf32, #tpu.memory_space<vmem>>, vector<16xf32>,
      %add3A_226 = arith.addf %add3A_221, %get3A_225 : vector<16xf32>
      %get3A_227 = arith.constant 6 : i32
      %get3A_228 = arith.index_cast %get3A_227 : i32 to index
      %get3A_229 = arith.constant 992 : index
      %get3A_230 = tpu.vector_load %arg7[%get3A_228, %get3A_229] {strides = array<i32>} : memref<32x1024xf32, #tpu.memory_space<vmem>>, vector<16xf32>,
      %add3A_231 = arith.addf %add3A_226, %get3A_230 : vector<16xf32>
      %get3A_232 = arith.constant 7 : i32
      %get3A_233 = arith.index_cast %get3A_232 : i32 to index
      %get3A_234 = arith.constant 992 : index
      %get3A_235 = tpu.vector_load %arg7[%get3A_233, %get3A_234] {strides = array<i32>} : memref<32x1024xf32, #tpu.memory_space<vmem>>, vector<16xf32>,
      %add3A_236 = arith.addf %add3A_231, %get3A_235 : vector<16xf32>
      %get3A_237 = arith.constant 8 : i32
      %get3A_238 = arith.index_cast %get3A_237 : i32 to index
      %get3A_239 = arith.constant 992 : index
      %get3A_240 = tpu.vector_load %arg7[%get3A_238, %get3A_239] {strides = array<i32>} : memref<32x1024xf32, #tpu.memory_space<vmem>>, vector<16xf32>,
      %add3A_241 = arith.addf %add3A_236, %get3A_240 : vector<16xf32>
      %get3A_242 = arith.constant 9 : i32
      %get3A_243 = arith.index_cast %get3A_242 : i32 to index
      %get3A_244 = arith.constant 992 : index
      %get3A_245 = tpu.vector_load %arg7[%get3A_243, %get3A_244] {strides = array<i32>} : memref<32x1024xf32, #tpu.memory_space<vmem>>, vector<16xf32>,
      %add3A_246 = arith.addf %add3A_241, %get3A_245 : vector<16xf32>
      %get3A_247 = arith.constant 10 : i32
      %get3A_248 = arith.index_cast %get3A_247 : i32 to index
      %get3A_249 = arith.constant 992 : index
      %get3A_250 = tpu.vector_load %arg7[%get3A_248, %get3A_249] {strides = array<i32>} : memref<32x1024xf32, #tpu.memory_space<vmem>>, vector<16xf32>,
      %add3A_251 = arith.addf %add3A_246, %get3A_250 : vector<16xf32>
      %get3A_252 = arith.constant 11 : i32
      %get3A_253 = arith.index_cast %get3A_252 : i32 to index
      %get3A_254 = arith.constant 992 : index
      %get3A_255 = tpu.vector_load %arg7[%get3A_253, %get3A_254] {strides = array<i32>} : memref<32x1024xf32, #tpu.memory_space<vmem>>, vector<16xf32>,
      %add3A_256 = arith.addf %add3A_251, %get3A_255 : vector<16xf32>
      %get3A_257 = arith.constant 12 : i32
      %get3A_258 = arith.index_cast %get3A_257 : i32 to index
      %get3A_259 = arith.constant 992 : index
      %get3A_260 = tpu.vector_load %arg7[%get3A_258, %get3A_259] {strides = array<i32>} : memref<32x1024xf32, #tpu.memory_space<vmem>>, vector<16xf32>,
      %add3A_261 = arith.addf %add3A_256, %get3A_260 : vector<16xf32>
      %get3A_262 = arith.constant 13 : i32
      %get3A_263 = arith.index_cast %get3A_262 : i32 to index
      %get3A_264 = arith.constant 992 : index
      %get3A_265 = tpu.vector_load %arg7[%get3A_263, %get3A_264] {strides = array<i32>} : memref<32x1024xf32, #tpu.memory_space<vmem>>, vector<16xf32>,
      %add3A_266 = arith.addf %add3A_261, %get3A_265 : vector<16xf32>
      %get3A_267 = arith.constant 14 : i32
      %get3A_268 = arith.index_cast %get3A_267 : i32 to index
      %get3A_269 = arith.constant 992 : index
      %get3A_270 = tpu.vector_load %arg7[%get3A_268, %get3A_269] {strides = array<i32>} : memref<32x1024xf32, #tpu.memory_space<vmem>>, vector<16xf32>,
      %add3A_271 = arith.addf %add3A_266, %get3A_270 : vector<16xf32>
      %get3A_272 = arith.constant 15 : i32
      %get3A_273 = arith.index_cast %get3A_272 : i32 to index
      %get3A_274 = arith.constant 992 : index
      %get3A_275 = tpu.vector_load %arg7[%get3A_273, %get3A_274] {strides = array<i32>} : memref<32x1024xf32, #tpu.memory_space<vmem>>, vector<16xf32>,
      %add3A_276 = arith.addf %add3A_271, %get3A_275 : vector<16xf32>
      %get3A_277 = arith.constant 16 : i32
      %get3A_278 = arith.index_cast %get3A_277 : i32 to index
      %get3A_279 = arith.constant 992 : index
      %get3A_280 = tpu.vector_load %arg7[%get3A_278, %get3A_279] {strides = array<i32>} : memref<32x1024xf32, #tpu.memory_space<vmem>>, vector<16xf32>,
      %add3A_281 = arith.addf %add3A_276, %get3A_280 : vector<16xf32>
      %get3A_282 = arith.constant 17 : i32
      %get3A_283 = arith.index_cast %get3A_282 : i32 to index
      %get3A_284 = arith.constant 992 : index
      %get3A_285 = tpu.vector_load %arg7[%get3A_283, %get3A_284] {strides = array<i32>} : memref<32x1024xf32, #tpu.memory_space<vmem>>, vector<16xf32>,
      %add3A_286 = arith.addf %add3A_281, %get3A_285 : vector<16xf32>
      %get3A_287 = arith.constant 18 : i32
      %get3A_288 = arith.index_cast %get3A_287 : i32 to index
      %get3A_289 = arith.constant 992 : index
      %get3A_290 = tpu.vector_load %arg7[%get3A_288, %get3A_289] {strides = array<i32>} : memref<32x1024xf32, #tpu.memory_space<vmem>>, vector<16xf32>,
      %add3A_291 = arith.addf %add3A_286, %get3A_290 : vector<16xf32>
      %get3A_292 = arith.constant 19 : i32
      %get3A_293 = arith.index_cast %get3A_292 : i32 to index
      %get3A_294 = arith.constant 992 : index
      %get3A_295 = tpu.vector_load %arg7[%get3A_293, %get3A_294] {strides = array<i32>} : memref<32x1024xf32, #tpu.memory_space<vmem>>, vector<16xf32>,
      %add3A_296 = arith.addf %add3A_291, %get3A_295 : vector<16xf32>
      %get3A_297 = arith.constant 20 : i32
      %get3A_298 = arith.index_cast %get3A_297 : i32 to index
      %get3A_299 = arith.constant 992 : index
      %get3A_300 = tpu.vector_load %arg7[%get3A_298, %get3A_299] {strides = array<i32>} : memref<32x1024xf32, #tpu.memory_space<vmem>>, vector<16xf32>,
      %add3A_301 = arith.addf %add3A_296, %get3A_300 : vector<16xf32>
      %get3A_302 = arith.constant 21 : i32
      %get3A_303 = arith.index_cast %get3A_302 : i32 to index
      %get3A_304 = arith.constant 992 : index
      %get3A_305 = tpu.vector_load %arg7[%get3A_303, %get3A_304] {strides = array<i32>} : memref<32x1024xf32, #tpu.memory_space<vmem>>, vector<16xf32>,
      %add3A_306 = arith.addf %add3A_301, %get3A_305 : vector<16xf32>
      %get3A_307 = arith.constant 22 : i32
      %get3A_308 = arith.index_cast %get3A_307 : i32 to index
      %get3A_309 = arith.constant 992 : index
      %get3A_310 = tpu.vector_load %arg7[%get3A_308, %get3A_309] {strides = array<i32>} : memref<32x1024xf32, #tpu.memory_space<vmem>>, vector<16xf32>,
      %add3A_311 = arith.addf %add3A_306, %get3A_310 : vector<16xf32>
      %get3A_312 = arith.constant 23 : i32
      %get3A_313 = arith.index_cast %get3A_312 : i32 to index
      %get3A_314 = arith.constant 992 : index
      %get3A_315 = tpu.vector_load %arg7[%get3A_313, %get3A_314] {strides = array<i32>} : memref<32x1024xf32, #tpu.memory_space<vmem>>, vector<16xf32>,
      %add3A_316 = arith.addf %add3A_311, %get3A_315 : vector<16xf32>
      %get3A_317 = arith.constant 24 : i32
      %get3A_318 = arith.index_cast %get3A_317 : i32 to index
      %get3A_319 = arith.constant 992 : index
      %get3A_320 = tpu.vector_load %arg7[%get3A_318, %get3A_319] {strides = array<i32>} : memref<32x1024xf32, #tpu.memory_space<vmem>>, vector<16xf32>,
      %add3A_321 = arith.addf %add3A_316, %get3A_320 : vector<16xf32>
      %get3A_322 = arith.constant 25 : i32
      %get3A_323 = arith.index_cast %get3A_322 : i32 to index
      %get3A_324 = arith.constant 992 : index
      %get3A_325 = tpu.vector_load %arg7[%get3A_323, %get3A_324] {strides = array<i32>} : memref<32x1024xf32, #tpu.memory_space<vmem>>, vector<16xf32>,
      %add3A_326 = arith.addf %add3A_321, %get3A_325 : vector<16xf32>
      %get3A_327 = arith.constant 26 : i32
      %get3A_328 = arith.index_cast %get3A_327 : i32 to index
      %get3A_329 = arith.constant 992 : index
      %get3A_330 = tpu.vector_load %arg7[%get3A_328, %get3A_329] {strides = array<i32>} : memref<32x1024xf32, #tpu.memory_space<vmem>>, vector<16xf32>,
      %add3A_331 = arith.addf %add3A_326, %get3A_330 : vector<16xf32>
      %get3A_332 = arith.constant 27 : i32
      %get3A_333 = arith.index_cast %get3A_332 : i32 to index
      %get3A_334 = arith.constant 992 : index
      %get3A_335 = tpu.vector_load %arg7[%get3A_333, %get3A_334] {strides = array<i32>} : memref<32x1024xf32, #tpu.memory_space<vmem>>, vector<16xf32>,
      %add3A_336 = arith.addf %add3A_331, %get3A_335 : vector<16xf32>
      %get3A_337 = arith.constant 28 : i32
      %get3A_338 = arith.index_cast %get3A_337 : i32 to index
      %get3A_339 = arith.constant 992 : index
      %get3A_340 = tpu.vector_load %arg7[%get3A_338, %get3A_339] {strides = array<i32>} : memref<32x1024xf32, #tpu.memory_space<vmem>>, vector<16xf32>,
      %add3A_341 = arith.addf %add3A_336, %get3A_340 : vector<16xf32>
      %get3A_342 = arith.constant 29 : i32
      %get3A_343 = arith.index_cast %get3A_342 : i32 to index
      %get3A_344 = arith.constant 992 : index
      %get3A_345 = tpu.vector_load %arg7[%get3A_343, %get3A_344] {strides = array<i32>} : memref<32x1024xf32, #tpu.memory_space<vmem>>, vector<16xf32>,
      %add3A_346 = arith.addf %add3A_341, %get3A_345 : vector<16xf32>
      %get3A_347 = arith.constant 30 : i32
      %get3A_348 = arith.index_cast %get3A_347 : i32 to index
      %get3A_349 = arith.constant 992 : index
      %get3A_350 = tpu.vector_load %arg7[%get3A_348, %get3A_349] {strides = array<i32>} : memref<32x1024xf32, #tpu.memory_space<vmem>>, vector<16xf32>,
      %add3A_351 = arith.addf %add3A_346, %get3A_350 : vector<16xf32>
      %get3A_352 = arith.constant 31 : i32
      %get3A_353 = arith.index_cast %get3A_352 : i32 to index
      %get3A_354 = arith.constant 992 : index
      %get3A_355 = tpu.vector_load %arg7[%get3A_353, %get3A_354] {strides = array<i32>} : memref<32x1024xf32, #tpu.memory_space<vmem>>, vector<16xf32>,
      %add3A_356 = arith.addf %add3A_351, %get3A_355 : vector<16xf32>
      %reduce_sum3A = arith.constant true
      %reduce_sum3A_357 = vector.broadcast %reduce_sum3A : i1 to vector<16xi1>
      %reduce_sum3A_358 = tpu.scan <sum>, %add3A_356 masked %reduce_sum3A_357 : vector<16xf32>, vector<16xi1> -> vector<16xf32>
      %reduce_sum3A_359 = vector.extract %reduce_sum3A_358[15] : f32 from vector<16xf32>
      %eq3A = arith.cmpf oeq, %reduce_sum3A_359, %reduce_sum3A_359 : f32
      %convert_element_type3A_360 = arith.extui %eq3A : i1 to i32
      %cond3A_361 = arith.constant 0 : i32
      %cond3A_362 = arith.cmpi ne, %convert_element_type3A_360, %cond3A_361 : i32
      scf.if %cond3A_362 {
        %dma_start3A = arith.constant 0 : i32
        %dma_start3A_703 = tpu.memref_slice %arg4[%mul3A_26, %min3A_3, %dma_start3A] : memref<50x1000x1024xf32, #tpu.memory_space<hbm>> -> memref<1x32x1024xf32, #tpu.memory_space<hbm>>
        %dma_start3A_704 = tpu.memref_squeeze %dma_start3A_703 : memref<1x32x1024xf32, #tpu.memory_space<hbm>> -> memref<32x1024xf32, #tpu.memory_space<hbm>>
        %dma_start3A_705 = arith.constant 0 : i32
        %dma_start3A_706 = tpu.memref_slice %arg4[%mul3A_26, %min3A_3, %dma_start3A_705] : memref<50x1000x1024xf32, #tpu.memory_space<hbm>> -> memref<1x32x1024xf32, #tpu.memory_space<hbm>>
        %dma_start3A_707 = tpu.memref_squeeze %dma_start3A_706 : memref<1x32x1024xf32, #tpu.memory_space<hbm>> -> memref<32x1024xf32, #tpu.memory_space<hbm>>
        tpu.enqueue_dma source(%arg7 : memref<32x1024xf32, #tpu.memory_space<vmem>>) target(%dma_start3A_707 : memref<32x1024xf32, #tpu.memory_space<hbm>>) target_semaphore(%arg9 : memref<!tpu.dma_semaphore, #tpu.memory_space<semaphore_mem>>)
      } else {
      }
      %gt3A_363 = arith.constant 0 : i32
      %gt3A_364 = arith.cmpi sgt, %scan3A_24, %gt3A_363 : i32
      %convert_element_type3A_365 = arith.extui %gt3A_364 : i1 to i32
      %cond3A_366 = arith.constant 0 : i32
      %cond3A_367 = arith.cmpi ne, %convert_element_type3A_365, %cond3A_366 : i32
      scf.if %cond3A_367 {
        %sub3A = arith.constant 2 : i32
        %sub3A_703 = arith.subi %add3A_28, %sub3A : i32
        %dma_wait3A_704 = arith.constant 0 : i32
        %dma_wait3A_705 = tpu.memref_slice %arg4[%sub3A_703, %min3A_3, %dma_wait3A_704] : memref<50x1000x1024xf32, #tpu.memory_space<hbm>> -> memref<1x32x1024xf32, #tpu.memory_space<hbm>>
        %dma_wait3A_706 = tpu.memref_squeeze %dma_wait3A_705 : memref<1x32x1024xf32, #tpu.memory_space<hbm>> -> memref<32x1024xf32, #tpu.memory_space<hbm>>
        %dma_wait3A_707 = arith.constant 0 : i32
        %dma_wait3A_708 = tpu.memref_slice %arg4[%sub3A_703, %min3A_3, %dma_wait3A_707] : memref<50x1000x1024xf32, #tpu.memory_space<hbm>> -> memref<1x32x1024xf32, #tpu.memory_space<hbm>>
        %dma_wait3A_709 = tpu.memref_squeeze %dma_wait3A_708 : memref<1x32x1024xf32, #tpu.memory_space<hbm>> -> memref<32x1024xf32, #tpu.memory_space<hbm>>
        tpu.wait_dma2 semaphore(%arg10 : memref<!tpu.dma_semaphore, #tpu.memory_space<semaphore_mem>>) src(%arg8 : memref<32x1024xf32, #tpu.memory_space<vmem>>) dst(%dma_wait3A_709 : memref<32x1024xf32, #tpu.memory_space<hbm>>)
      } else {
      }
      %mul3A_368 = arith.constant 1024 : i32
      %mul3A_369 = arith.muli %add3A_28, %mul3A_368 : i32
      %scan3A_370 = arith.constant 0 : i32
      %scan3A_371 = arith.constant 0 : i32
      %scan3A_372 = arith.constant 64 : i32
      %scan3A_373 = arith.addi %scan3A_371, %scan3A_372 : i32
      %scan3A_374 = arith.constant 1 : i32
      scf.for %scan3A_703 = %scan3A_371 to %scan3A_373 step %scan3A_374  : i32 {
        %mul3A_704 = arith.constant 16 : i32
        %mul3A_705 = arith.muli %scan3A_703, %mul3A_704 : i32
        %add3A_706 = arith.addi %mul3A_369, %mul3A_705 : i32
        %get3A_707 = arith.index_cast %add3A_706 : i32 to index
        %get3A_708 = tpu.vector_load %arg6[%get3A_707] {strides = array<i32>} : memref<51200xi32, #tpu.memory_space<vmem>>, vector<16xi32>,
        %add3A_709 = arith.constant 0 : i32
        %add3A_710 = vector.broadcast %add3A_709 : i32 to vector<16xi32>
        %add3A_711 = arith.addi %get3A_708, %add3A_710 : vector<16xi32>
        %gather3A = tpu.vector_load_idx %arg5[%add3A_711] : memref<4096xf32, #tpu.memory_space<vmem>>[vector<16xi32>], vector<16xf32>,
        %add3A_712 = arith.constant 128 : i32
        %add3A_713 = vector.broadcast %add3A_712 : i32 to vector<16xi32>
        %add3A_714 = arith.addi %get3A_708, %add3A_713 : vector<16xi32>
        %gather3A_715 = tpu.vector_load_idx %arg5[%add3A_714] : memref<4096xf32, #tpu.memory_space<vmem>>[vector<16xi32>], vector<16xf32>,
        %add3A_716 = arith.constant 256 : i32
        %add3A_717 = vector.broadcast %add3A_716 : i32 to vector<16xi32>
        %add3A_718 = arith.addi %get3A_708, %add3A_717 : vector<16xi32>
        %gather3A_719 = tpu.vector_load_idx %arg5[%add3A_718] : memref<4096xf32, #tpu.memory_space<vmem>>[vector<16xi32>], vector<16xf32>,
        %add3A_720 = arith.constant 384 : i32
        %add3A_721 = vector.broadcast %add3A_720 : i32 to vector<16xi32>
        %add3A_722 = arith.addi %get3A_708, %add3A_721 : vector<16xi32>
        %gather3A_723 = tpu.vector_load_idx %arg5[%add3A_722] : memref<4096xf32, #tpu.memory_space<vmem>>[vector<16xi32>], vector<16xf32>,
        %add3A_724 = arith.constant 512 : i32
        %add3A_725 = vector.broadcast %add3A_724 : i32 to vector<16xi32>
        %add3A_726 = arith.addi %get3A_708, %add3A_725 : vector<16xi32>
        %gather3A_727 = tpu.vector_load_idx %arg5[%add3A_726] : memref<4096xf32, #tpu.memory_space<vmem>>[vector<16xi32>], vector<16xf32>,
        %add3A_728 = arith.constant 640 : i32
        %add3A_729 = vector.broadcast %add3A_728 : i32 to vector<16xi32>
        %add3A_730 = arith.addi %get3A_708, %add3A_729 : vector<16xi32>
        %gather3A_731 = tpu.vector_load_idx %arg5[%add3A_730] : memref<4096xf32, #tpu.memory_space<vmem>>[vector<16xi32>], vector<16xf32>,
        %add3A_732 = arith.constant 768 : i32
        %add3A_733 = vector.broadcast %add3A_732 : i32 to vector<16xi32>
        %add3A_734 = arith.addi %get3A_708, %add3A_733 : vector<16xi32>
        %gather3A_735 = tpu.vector_load_idx %arg5[%add3A_734] : memref<4096xf32, #tpu.memory_space<vmem>>[vector<16xi32>], vector<16xf32>,
        %add3A_736 = arith.constant 896 : i32
        %add3A_737 = vector.broadcast %add3A_736 : i32 to vector<16xi32>
        %add3A_738 = arith.addi %get3A_708, %add3A_737 : vector<16xi32>
        %gather3A_739 = tpu.vector_load_idx %arg5[%add3A_738] : memref<4096xf32, #tpu.memory_space<vmem>>[vector<16xi32>], vector<16xf32>,
        %add3A_740 = arith.constant 1024 : i32
        %add3A_741 = vector.broadcast %add3A_740 : i32 to vector<16xi32>
        %add3A_742 = arith.addi %get3A_708, %add3A_741 : vector<16xi32>
        %gather3A_743 = tpu.vector_load_idx %arg5[%add3A_742] : memref<4096xf32, #tpu.memory_space<vmem>>[vector<16xi32>], vector<16xf32>,
        %add3A_744 = arith.constant 1152 : i32
        %add3A_745 = vector.broadcast %add3A_744 : i32 to vector<16xi32>
        %add3A_746 = arith.addi %get3A_708, %add3A_745 : vector<16xi32>
        %gather3A_747 = tpu.vector_load_idx %arg5[%add3A_746] : memref<4096xf32, #tpu.memory_space<vmem>>[vector<16xi32>], vector<16xf32>,
        %add3A_748 = arith.constant 1280 : i32
        %add3A_749 = vector.broadcast %add3A_748 : i32 to vector<16xi32>
        %add3A_750 = arith.addi %get3A_708, %add3A_749 : vector<16xi32>
        %gather3A_751 = tpu.vector_load_idx %arg5[%add3A_750] : memref<4096xf32, #tpu.memory_space<vmem>>[vector<16xi32>], vector<16xf32>,
        %add3A_752 = arith.constant 1408 : i32
        %add3A_753 = vector.broadcast %add3A_752 : i32 to vector<16xi32>
        %add3A_754 = arith.addi %get3A_708, %add3A_753 : vector<16xi32>
        %gather3A_755 = tpu.vector_load_idx %arg5[%add3A_754] : memref<4096xf32, #tpu.memory_space<vmem>>[vector<16xi32>], vector<16xf32>,
        %add3A_756 = arith.constant 1536 : i32
        %add3A_757 = vector.broadcast %add3A_756 : i32 to vector<16xi32>
        %add3A_758 = arith.addi %get3A_708, %add3A_757 : vector<16xi32>
        %gather3A_759 = tpu.vector_load_idx %arg5[%add3A_758] : memref<4096xf32, #tpu.memory_space<vmem>>[vector<16xi32>], vector<16xf32>,
        %add3A_760 = arith.constant 1664 : i32
        %add3A_761 = vector.broadcast %add3A_760 : i32 to vector<16xi32>
        %add3A_762 = arith.addi %get3A_708, %add3A_761 : vector<16xi32>
        %gather3A_763 = tpu.vector_load_idx %arg5[%add3A_762] : memref<4096xf32, #tpu.memory_space<vmem>>[vector<16xi32>], vector<16xf32>,
        %add3A_764 = arith.constant 1792 : i32
        %add3A_765 = vector.broadcast %add3A_764 : i32 to vector<16xi32>
        %add3A_766 = arith.addi %get3A_708, %add3A_765 : vector<16xi32>
        %gather3A_767 = tpu.vector_load_idx %arg5[%add3A_766] : memref<4096xf32, #tpu.memory_space<vmem>>[vector<16xi32>], vector<16xf32>,
        %add3A_768 = arith.constant 1920 : i32
        %add3A_769 = vector.broadcast %add3A_768 : i32 to vector<16xi32>
        %add3A_770 = arith.addi %get3A_708, %add3A_769 : vector<16xi32>
        %gather3A_771 = tpu.vector_load_idx %arg5[%add3A_770] : memref<4096xf32, #tpu.memory_space<vmem>>[vector<16xi32>], vector<16xf32>,
        %add3A_772 = arith.constant 2048 : i32
        %add3A_773 = vector.broadcast %add3A_772 : i32 to vector<16xi32>
        %add3A_774 = arith.addi %get3A_708, %add3A_773 : vector<16xi32>
        %gather3A_775 = tpu.vector_load_idx %arg5[%add3A_774] : memref<4096xf32, #tpu.memory_space<vmem>>[vector<16xi32>], vector<16xf32>,
        %add3A_776 = arith.constant 2176 : i32
        %add3A_777 = vector.broadcast %add3A_776 : i32 to vector<16xi32>
        %add3A_778 = arith.addi %get3A_708, %add3A_777 : vector<16xi32>
        %gather3A_779 = tpu.vector_load_idx %arg5[%add3A_778] : memref<4096xf32, #tpu.memory_space<vmem>>[vector<16xi32>], vector<16xf32>,
        %add3A_780 = arith.constant 2304 : i32
        %add3A_781 = vector.broadcast %add3A_780 : i32 to vector<16xi32>
        %add3A_782 = arith.addi %get3A_708, %add3A_781 : vector<16xi32>
        %gather3A_783 = tpu.vector_load_idx %arg5[%add3A_782] : memref<4096xf32, #tpu.memory_space<vmem>>[vector<16xi32>], vector<16xf32>,
        %add3A_784 = arith.constant 2432 : i32
        %add3A_785 = vector.broadcast %add3A_784 : i32 to vector<16xi32>
        %add3A_786 = arith.addi %get3A_708, %add3A_785 : vector<16xi32>
        %gather3A_787 = tpu.vector_load_idx %arg5[%add3A_786] : memref<4096xf32, #tpu.memory_space<vmem>>[vector<16xi32>], vector<16xf32>,
        %add3A_788 = arith.constant 2560 : i32
        %add3A_789 = vector.broadcast %add3A_788 : i32 to vector<16xi32>
        %add3A_790 = arith.addi %get3A_708, %add3A_789 : vector<16xi32>
        %gather3A_791 = tpu.vector_load_idx %arg5[%add3A_790] : memref<4096xf32, #tpu.memory_space<vmem>>[vector<16xi32>], vector<16xf32>,
        %add3A_792 = arith.constant 2688 : i32
        %add3A_793 = vector.broadcast %add3A_792 : i32 to vector<16xi32>
        %add3A_794 = arith.addi %get3A_708, %add3A_793 : vector<16xi32>
        %gather3A_795 = tpu.vector_load_idx %arg5[%add3A_794] : memref<4096xf32, #tpu.memory_space<vmem>>[vector<16xi32>], vector<16xf32>,
        %add3A_796 = arith.constant 2816 : i32
        %add3A_797 = vector.broadcast %add3A_796 : i32 to vector<16xi32>
        %add3A_798 = arith.addi %get3A_708, %add3A_797 : vector<16xi32>
        %gather3A_799 = tpu.vector_load_idx %arg5[%add3A_798] : memref<4096xf32, #tpu.memory_space<vmem>>[vector<16xi32>], vector<16xf32>,
        %add3A_800 = arith.constant 2944 : i32
        %add3A_801 = vector.broadcast %add3A_800 : i32 to vector<16xi32>
        %add3A_802 = arith.addi %get3A_708, %add3A_801 : vector<16xi32>
        %gather3A_803 = tpu.vector_load_idx %arg5[%add3A_802] : memref<4096xf32, #tpu.memory_space<vmem>>[vector<16xi32>], vector<16xf32>,
        %add3A_804 = arith.constant 3072 : i32
        %add3A_805 = vector.broadcast %add3A_804 : i32 to vector<16xi32>
        %add3A_806 = arith.addi %get3A_708, %add3A_805 : vector<16xi32>
        %gather3A_807 = tpu.vector_load_idx %arg5[%add3A_806] : memref<4096xf32, #tpu.memory_space<vmem>>[vector<16xi32>], vector<16xf32>,
        %add3A_808 = arith.constant 3200 : i32
        %add3A_809 = vector.broadcast %add3A_808 : i32 to vector<16xi32>
        %add3A_810 = arith.addi %get3A_708, %add3A_809 : vector<16xi32>
        %gather3A_811 = tpu.vector_load_idx %arg5[%add3A_810] : memref<4096xf32, #tpu.memory_space<vmem>>[vector<16xi32>], vector<16xf32>,
        %add3A_812 = arith.constant 3328 : i32
        %add3A_813 = vector.broadcast %add3A_812 : i32 to vector<16xi32>
        %add3A_814 = arith.addi %get3A_708, %add3A_813 : vector<16xi32>
        %gather3A_815 = tpu.vector_load_idx %arg5[%add3A_814] : memref<4096xf32, #tpu.memory_space<vmem>>[vector<16xi32>], vector<16xf32>,
        %add3A_816 = arith.constant 3456 : i32
        %add3A_817 = vector.broadcast %add3A_816 : i32 to vector<16xi32>
        %add3A_818 = arith.addi %get3A_708, %add3A_817 : vector<16xi32>
        %gather3A_819 = tpu.vector_load_idx %arg5[%add3A_818] : memref<4096xf32, #tpu.memory_space<vmem>>[vector<16xi32>], vector<16xf32>,
        %add3A_820 = arith.constant 3584 : i32
        %add3A_821 = vector.broadcast %add3A_820 : i32 to vector<16xi32>
        %add3A_822 = arith.addi %get3A_708, %add3A_821 : vector<16xi32>
        %gather3A_823 = tpu.vector_load_idx %arg5[%add3A_822] : memref<4096xf32, #tpu.memory_space<vmem>>[vector<16xi32>], vector<16xf32>,
        %add3A_824 = arith.constant 3712 : i32
        %add3A_825 = vector.broadcast %add3A_824 : i32 to vector<16xi32>
        %add3A_826 = arith.addi %get3A_708, %add3A_825 : vector<16xi32>
        %gather3A_827 = tpu.vector_load_idx %arg5[%add3A_826] : memref<4096xf32, #tpu.memory_space<vmem>>[vector<16xi32>], vector<16xf32>,
        %add3A_828 = arith.constant 3840 : i32
        %add3A_829 = vector.broadcast %add3A_828 : i32 to vector<16xi32>
        %add3A_830 = arith.addi %get3A_708, %add3A_829 : vector<16xi32>
        %gather3A_831 = tpu.vector_load_idx %arg5[%add3A_830] : memref<4096xf32, #tpu.memory_space<vmem>>[vector<16xi32>], vector<16xf32>,
        %add3A_832 = arith.constant 3968 : i32
        %add3A_833 = vector.broadcast %add3A_832 : i32 to vector<16xi32>
        %add3A_834 = arith.addi %get3A_708, %add3A_833 : vector<16xi32>
        %gather3A_835 = tpu.vector_load_idx %arg5[%add3A_834] : memref<4096xf32, #tpu.memory_space<vmem>>[vector<16xi32>], vector<16xf32>,
        %swap3A = arith.constant 0 : i32
        %swap3A_836 = arith.index_cast %swap3A : i32 to index
        %swap3A_837 = arith.index_cast %mul3A_705 : i32 to index
        %swap3A_838 = tpu.vector_load %arg8[%swap3A_836, %swap3A_837] {strides = array<i32>} : memref<32x1024xf32, #tpu.memory_space<vmem>>, vector<16xf32>,
        tpu.vector_store %arg8[%swap3A_836, %swap3A_837], %gather3A {strides = array<i32>} : memref<32x1024xf32, #tpu.memory_space<vmem>>, vector<16xf32>,
        %swap3A_839 = arith.constant 1 : i32
        %swap3A_840 = arith.index_cast %swap3A_839 : i32 to index
        %swap3A_841 = arith.index_cast %mul3A_705 : i32 to index
        %swap3A_842 = tpu.vector_load %arg8[%swap3A_840, %swap3A_841] {strides = array<i32>} : memref<32x1024xf32, #tpu.memory_space<vmem>>, vector<16xf32>,
        tpu.vector_store %arg8[%swap3A_840, %swap3A_841], %gather3A_715 {strides = array<i32>} : memref<32x1024xf32, #tpu.memory_space<vmem>>, vector<16xf32>,
        %swap3A_843 = arith.constant 2 : i32
        %swap3A_844 = arith.index_cast %swap3A_843 : i32 to index
        %swap3A_845 = arith.index_cast %mul3A_705 : i32 to index
        %swap3A_846 = tpu.vector_load %arg8[%swap3A_844, %swap3A_845] {strides = array<i32>} : memref<32x1024xf32, #tpu.memory_space<vmem>>, vector<16xf32>,
        tpu.vector_store %arg8[%swap3A_844, %swap3A_845], %gather3A_719 {strides = array<i32>} : memref<32x1024xf32, #tpu.memory_space<vmem>>, vector<16xf32>,
        %swap3A_847 = arith.constant 3 : i32
        %swap3A_848 = arith.index_cast %swap3A_847 : i32 to index
        %swap3A_849 = arith.index_cast %mul3A_705 : i32 to index
        %swap3A_850 = tpu.vector_load %arg8[%swap3A_848, %swap3A_849] {strides = array<i32>} : memref<32x1024xf32, #tpu.memory_space<vmem>>, vector<16xf32>,
        tpu.vector_store %arg8[%swap3A_848, %swap3A_849], %gather3A_723 {strides = array<i32>} : memref<32x1024xf32, #tpu.memory_space<vmem>>, vector<16xf32>,
        %swap3A_851 = arith.constant 4 : i32
        %swap3A_852 = arith.index_cast %swap3A_851 : i32 to index
        %swap3A_853 = arith.index_cast %mul3A_705 : i32 to index
        %swap3A_854 = tpu.vector_load %arg8[%swap3A_852, %swap3A_853] {strides = array<i32>} : memref<32x1024xf32, #tpu.memory_space<vmem>>, vector<16xf32>,
        tpu.vector_store %arg8[%swap3A_852, %swap3A_853], %gather3A_727 {strides = array<i32>} : memref<32x1024xf32, #tpu.memory_space<vmem>>, vector<16xf32>,
        %swap3A_855 = arith.constant 5 : i32
        %swap3A_856 = arith.index_cast %swap3A_855 : i32 to index
        %swap3A_857 = arith.index_cast %mul3A_705 : i32 to index
        %swap3A_858 = tpu.vector_load %arg8[%swap3A_856, %swap3A_857] {strides = array<i32>} : memref<32x1024xf32, #tpu.memory_space<vmem>>, vector<16xf32>,
        tpu.vector_store %arg8[%swap3A_856, %swap3A_857], %gather3A_731 {strides = array<i32>} : memref<32x1024xf32, #tpu.memory_space<vmem>>, vector<16xf32>,
        %swap3A_859 = arith.constant 6 : i32
        %swap3A_860 = arith.index_cast %swap3A_859 : i32 to index
        %swap3A_861 = arith.index_cast %mul3A_705 : i32 to index
        %swap3A_862 = tpu.vector_load %arg8[%swap3A_860, %swap3A_861] {strides = array<i32>} : memref<32x1024xf32, #tpu.memory_space<vmem>>, vector<16xf32>,
        tpu.vector_store %arg8[%swap3A_860, %swap3A_861], %gather3A_735 {strides = array<i32>} : memref<32x1024xf32, #tpu.memory_space<vmem>>, vector<16xf32>,
        %swap3A_863 = arith.constant 7 : i32
        %swap3A_864 = arith.index_cast %swap3A_863 : i32 to index
        %swap3A_865 = arith.index_cast %mul3A_705 : i32 to index
        %swap3A_866 = tpu.vector_load %arg8[%swap3A_864, %swap3A_865] {strides = array<i32>} : memref<32x1024xf32, #tpu.memory_space<vmem>>, vector<16xf32>,
        tpu.vector_store %arg8[%swap3A_864, %swap3A_865], %gather3A_739 {strides = array<i32>} : memref<32x1024xf32, #tpu.memory_space<vmem>>, vector<16xf32>,
        %swap3A_867 = arith.constant 8 : i32
        %swap3A_868 = arith.index_cast %swap3A_867 : i32 to index
        %swap3A_869 = arith.index_cast %mul3A_705 : i32 to index
        %swap3A_870 = tpu.vector_load %arg8[%swap3A_868, %swap3A_869] {strides = array<i32>} : memref<32x1024xf32, #tpu.memory_space<vmem>>, vector<16xf32>,
        tpu.vector_store %arg8[%swap3A_868, %swap3A_869], %gather3A_743 {strides = array<i32>} : memref<32x1024xf32, #tpu.memory_space<vmem>>, vector<16xf32>,
        %swap3A_871 = arith.constant 9 : i32
        %swap3A_872 = arith.index_cast %swap3A_871 : i32 to index
        %swap3A_873 = arith.index_cast %mul3A_705 : i32 to index
        %swap3A_874 = tpu.vector_load %arg8[%swap3A_872, %swap3A_873] {strides = array<i32>} : memref<32x1024xf32, #tpu.memory_space<vmem>>, vector<16xf32>,
        tpu.vector_store %arg8[%swap3A_872, %swap3A_873], %gather3A_747 {strides = array<i32>} : memref<32x1024xf32, #tpu.memory_space<vmem>>, vector<16xf32>,
        %swap3A_875 = arith.constant 10 : i32
        %swap3A_876 = arith.index_cast %swap3A_875 : i32 to index
        %swap3A_877 = arith.index_cast %mul3A_705 : i32 to index
        %swap3A_878 = tpu.vector_load %arg8[%swap3A_876, %swap3A_877] {strides = array<i32>} : memref<32x1024xf32, #tpu.memory_space<vmem>>, vector<16xf32>,
        tpu.vector_store %arg8[%swap3A_876, %swap3A_877], %gather3A_751 {strides = array<i32>} : memref<32x1024xf32, #tpu.memory_space<vmem>>, vector<16xf32>,
        %swap3A_879 = arith.constant 11 : i32
        %swap3A_880 = arith.index_cast %swap3A_879 : i32 to index
        %swap3A_881 = arith.index_cast %mul3A_705 : i32 to index
        %swap3A_882 = tpu.vector_load %arg8[%swap3A_880, %swap3A_881] {strides = array<i32>} : memref<32x1024xf32, #tpu.memory_space<vmem>>, vector<16xf32>,
        tpu.vector_store %arg8[%swap3A_880, %swap3A_881], %gather3A_755 {strides = array<i32>} : memref<32x1024xf32, #tpu.memory_space<vmem>>, vector<16xf32>,
        %swap3A_883 = arith.constant 12 : i32
        %swap3A_884 = arith.index_cast %swap3A_883 : i32 to index
        %swap3A_885 = arith.index_cast %mul3A_705 : i32 to index
        %swap3A_886 = tpu.vector_load %arg8[%swap3A_884, %swap3A_885] {strides = array<i32>} : memref<32x1024xf32, #tpu.memory_space<vmem>>, vector<16xf32>,
        tpu.vector_store %arg8[%swap3A_884, %swap3A_885], %gather3A_759 {strides = array<i32>} : memref<32x1024xf32, #tpu.memory_space<vmem>>, vector<16xf32>,
        %swap3A_887 = arith.constant 13 : i32
        %swap3A_888 = arith.index_cast %swap3A_887 : i32 to index
        %swap3A_889 = arith.index_cast %mul3A_705 : i32 to index
        %swap3A_890 = tpu.vector_load %arg8[%swap3A_888, %swap3A_889] {strides = array<i32>} : memref<32x1024xf32, #tpu.memory_space<vmem>>, vector<16xf32>,
        tpu.vector_store %arg8[%swap3A_888, %swap3A_889], %gather3A_763 {strides = array<i32>} : memref<32x1024xf32, #tpu.memory_space<vmem>>, vector<16xf32>,
        %swap3A_891 = arith.constant 14 : i32
        %swap3A_892 = arith.index_cast %swap3A_891 : i32 to index
        %swap3A_893 = arith.index_cast %mul3A_705 : i32 to index
        %swap3A_894 = tpu.vector_load %arg8[%swap3A_892, %swap3A_893] {strides = array<i32>} : memref<32x1024xf32, #tpu.memory_space<vmem>>, vector<16xf32>,
        tpu.vector_store %arg8[%swap3A_892, %swap3A_893], %gather3A_767 {strides = array<i32>} : memref<32x1024xf32, #tpu.memory_space<vmem>>, vector<16xf32>,
        %swap3A_895 = arith.constant 15 : i32
        %swap3A_896 = arith.index_cast %swap3A_895 : i32 to index
        %swap3A_897 = arith.index_cast %mul3A_705 : i32 to index
        %swap3A_898 = tpu.vector_load %arg8[%swap3A_896, %swap3A_897] {strides = array<i32>} : memref<32x1024xf32, #tpu.memory_space<vmem>>, vector<16xf32>,
        tpu.vector_store %arg8[%swap3A_896, %swap3A_897], %gather3A_771 {strides = array<i32>} : memref<32x1024xf32, #tpu.memory_space<vmem>>, vector<16xf32>,
        %swap3A_899 = arith.constant 16 : i32
        %swap3A_900 = arith.index_cast %swap3A_899 : i32 to index
        %swap3A_901 = arith.index_cast %mul3A_705 : i32 to index
        %swap3A_902 = tpu.vector_load %arg8[%swap3A_900, %swap3A_901] {strides = array<i32>} : memref<32x1024xf32, #tpu.memory_space<vmem>>, vector<16xf32>,
        tpu.vector_store %arg8[%swap3A_900, %swap3A_901], %gather3A_775 {strides = array<i32>} : memref<32x1024xf32, #tpu.memory_space<vmem>>, vector<16xf32>,
        %swap3A_903 = arith.constant 17 : i32
        %swap3A_904 = arith.index_cast %swap3A_903 : i32 to index
        %swap3A_905 = arith.index_cast %mul3A_705 : i32 to index
        %swap3A_906 = tpu.vector_load %arg8[%swap3A_904, %swap3A_905] {strides = array<i32>} : memref<32x1024xf32, #tpu.memory_space<vmem>>, vector<16xf32>,
        tpu.vector_store %arg8[%swap3A_904, %swap3A_905], %gather3A_779 {strides = array<i32>} : memref<32x1024xf32, #tpu.memory_space<vmem>>, vector<16xf32>,
        %swap3A_907 = arith.constant 18 : i32
        %swap3A_908 = arith.index_cast %swap3A_907 : i32 to index
        %swap3A_909 = arith.index_cast %mul3A_705 : i32 to index
        %swap3A_910 = tpu.vector_load %arg8[%swap3A_908, %swap3A_909] {strides = array<i32>} : memref<32x1024xf32, #tpu.memory_space<vmem>>, vector<16xf32>,
        tpu.vector_store %arg8[%swap3A_908, %swap3A_909], %gather3A_783 {strides = array<i32>} : memref<32x1024xf32, #tpu.memory_space<vmem>>, vector<16xf32>,
        %swap3A_911 = arith.constant 19 : i32
        %swap3A_912 = arith.index_cast %swap3A_911 : i32 to index
        %swap3A_913 = arith.index_cast %mul3A_705 : i32 to index
        %swap3A_914 = tpu.vector_load %arg8[%swap3A_912, %swap3A_913] {strides = array<i32>} : memref<32x1024xf32, #tpu.memory_space<vmem>>, vector<16xf32>,
        tpu.vector_store %arg8[%swap3A_912, %swap3A_913], %gather3A_787 {strides = array<i32>} : memref<32x1024xf32, #tpu.memory_space<vmem>>, vector<16xf32>,
        %swap3A_915 = arith.constant 20 : i32
        %swap3A_916 = arith.index_cast %swap3A_915 : i32 to index
        %swap3A_917 = arith.index_cast %mul3A_705 : i32 to index
        %swap3A_918 = tpu.vector_load %arg8[%swap3A_916, %swap3A_917] {strides = array<i32>} : memref<32x1024xf32, #tpu.memory_space<vmem>>, vector<16xf32>,
        tpu.vector_store %arg8[%swap3A_916, %swap3A_917], %gather3A_791 {strides = array<i32>} : memref<32x1024xf32, #tpu.memory_space<vmem>>, vector<16xf32>,
        %swap3A_919 = arith.constant 21 : i32
        %swap3A_920 = arith.index_cast %swap3A_919 : i32 to index
        %swap3A_921 = arith.index_cast %mul3A_705 : i32 to index
        %swap3A_922 = tpu.vector_load %arg8[%swap3A_920, %swap3A_921] {strides = array<i32>} : memref<32x1024xf32, #tpu.memory_space<vmem>>, vector<16xf32>,
        tpu.vector_store %arg8[%swap3A_920, %swap3A_921], %gather3A_795 {strides = array<i32>} : memref<32x1024xf32, #tpu.memory_space<vmem>>, vector<16xf32>,
        %swap3A_923 = arith.constant 22 : i32
        %swap3A_924 = arith.index_cast %swap3A_923 : i32 to index
        %swap3A_925 = arith.index_cast %mul3A_705 : i32 to index
        %swap3A_926 = tpu.vector_load %arg8[%swap3A_924, %swap3A_925] {strides = array<i32>} : memref<32x1024xf32, #tpu.memory_space<vmem>>, vector<16xf32>,
        tpu.vector_store %arg8[%swap3A_924, %swap3A_925], %gather3A_799 {strides = array<i32>} : memref<32x1024xf32, #tpu.memory_space<vmem>>, vector<16xf32>,
        %swap3A_927 = arith.constant 23 : i32
        %swap3A_928 = arith.index_cast %swap3A_927 : i32 to index
        %swap3A_929 = arith.index_cast %mul3A_705 : i32 to index
        %swap3A_930 = tpu.vector_load %arg8[%swap3A_928, %swap3A_929] {strides = array<i32>} : memref<32x1024xf32, #tpu.memory_space<vmem>>, vector<16xf32>,
        tpu.vector_store %arg8[%swap3A_928, %swap3A_929], %gather3A_803 {strides = array<i32>} : memref<32x1024xf32, #tpu.memory_space<vmem>>, vector<16xf32>,
        %swap3A_931 = arith.constant 24 : i32
        %swap3A_932 = arith.index_cast %swap3A_931 : i32 to index
        %swap3A_933 = arith.index_cast %mul3A_705 : i32 to index
        %swap3A_934 = tpu.vector_load %arg8[%swap3A_932, %swap3A_933] {strides = array<i32>} : memref<32x1024xf32, #tpu.memory_space<vmem>>, vector<16xf32>,
        tpu.vector_store %arg8[%swap3A_932, %swap3A_933], %gather3A_807 {strides = array<i32>} : memref<32x1024xf32, #tpu.memory_space<vmem>>, vector<16xf32>,
        %swap3A_935 = arith.constant 25 : i32
        %swap3A_936 = arith.index_cast %swap3A_935 : i32 to index
        %swap3A_937 = arith.index_cast %mul3A_705 : i32 to index
        %swap3A_938 = tpu.vector_load %arg8[%swap3A_936, %swap3A_937] {strides = array<i32>} : memref<32x1024xf32, #tpu.memory_space<vmem>>, vector<16xf32>,
        tpu.vector_store %arg8[%swap3A_936, %swap3A_937], %gather3A_811 {strides = array<i32>} : memref<32x1024xf32, #tpu.memory_space<vmem>>, vector<16xf32>,
        %swap3A_939 = arith.constant 26 : i32
        %swap3A_940 = arith.index_cast %swap3A_939 : i32 to index
        %swap3A_941 = arith.index_cast %mul3A_705 : i32 to index
        %swap3A_942 = tpu.vector_load %arg8[%swap3A_940, %swap3A_941] {strides = array<i32>} : memref<32x1024xf32, #tpu.memory_space<vmem>>, vector<16xf32>,
        tpu.vector_store %arg8[%swap3A_940, %swap3A_941], %gather3A_815 {strides = array<i32>} : memref<32x1024xf32, #tpu.memory_space<vmem>>, vector<16xf32>,
        %swap3A_943 = arith.constant 27 : i32
        %swap3A_944 = arith.index_cast %swap3A_943 : i32 to index
        %swap3A_945 = arith.index_cast %mul3A_705 : i32 to index
        %swap3A_946 = tpu.vector_load %arg8[%swap3A_944, %swap3A_945] {strides = array<i32>} : memref<32x1024xf32, #tpu.memory_space<vmem>>, vector<16xf32>,
        tpu.vector_store %arg8[%swap3A_944, %swap3A_945], %gather3A_819 {strides = array<i32>} : memref<32x1024xf32, #tpu.memory_space<vmem>>, vector<16xf32>,
        %swap3A_947 = arith.constant 28 : i32
        %swap3A_948 = arith.index_cast %swap3A_947 : i32 to index
        %swap3A_949 = arith.index_cast %mul3A_705 : i32 to index
        %swap3A_950 = tpu.vector_load %arg8[%swap3A_948, %swap3A_949] {strides = array<i32>} : memref<32x1024xf32, #tpu.memory_space<vmem>>, vector<16xf32>,
        tpu.vector_store %arg8[%swap3A_948, %swap3A_949], %gather3A_823 {strides = array<i32>} : memref<32x1024xf32, #tpu.memory_space<vmem>>, vector<16xf32>,
        %swap3A_951 = arith.constant 29 : i32
        %swap3A_952 = arith.index_cast %swap3A_951 : i32 to index
        %swap3A_953 = arith.index_cast %mul3A_705 : i32 to index
        %swap3A_954 = tpu.vector_load %arg8[%swap3A_952, %swap3A_953] {strides = array<i32>} : memref<32x1024xf32, #tpu.memory_space<vmem>>, vector<16xf32>,
        tpu.vector_store %arg8[%swap3A_952, %swap3A_953], %gather3A_827 {strides = array<i32>} : memref<32x1024xf32, #tpu.memory_space<vmem>>, vector<16xf32>,
        %swap3A_955 = arith.constant 30 : i32
        %swap3A_956 = arith.index_cast %swap3A_955 : i32 to index
        %swap3A_957 = arith.index_cast %mul3A_705 : i32 to index
        %swap3A_958 = tpu.vector_load %arg8[%swap3A_956, %swap3A_957] {strides = array<i32>} : memref<32x1024xf32, #tpu.memory_space<vmem>>, vector<16xf32>,
        tpu.vector_store %arg8[%swap3A_956, %swap3A_957], %gather3A_831 {strides = array<i32>} : memref<32x1024xf32, #tpu.memory_space<vmem>>, vector<16xf32>,
        %swap3A_959 = arith.constant 31 : i32
        %swap3A_960 = arith.index_cast %swap3A_959 : i32 to index
        %swap3A_961 = arith.index_cast %mul3A_705 : i32 to index
        %swap3A_962 = tpu.vector_load %arg8[%swap3A_960, %swap3A_961] {strides = array<i32>} : memref<32x1024xf32, #tpu.memory_space<vmem>>, vector<16xf32>,
        tpu.vector_store %arg8[%swap3A_960, %swap3A_961], %gather3A_835 {strides = array<i32>} : memref<32x1024xf32, #tpu.memory_space<vmem>>, vector<16xf32>,
      }
      %scan3A_375 = arith.constant 64 : i32
      %get3A_376 = arith.constant 0 : i32
      %get3A_377 = arith.index_cast %get3A_376 : i32 to index
      %get3A_378 = arith.constant 1008 : index
      %get3A_379 = tpu.vector_load %arg8[%get3A_377, %get3A_378] {strides = array<i32>} : memref<32x1024xf32, #tpu.memory_space<vmem>>, vector<16xf32>,
      %get3A_380 = arith.constant 1 : i32
      %get3A_381 = arith.index_cast %get3A_380 : i32 to index
      %get3A_382 = arith.constant 1008 : index
      %get3A_383 = tpu.vector_load %arg8[%get3A_381, %get3A_382] {strides = array<i32>} : memref<32x1024xf32, #tpu.memory_space<vmem>>, vector<16xf32>,
      %add3A_384 = arith.addf %get3A_379, %get3A_383 : vector<16xf32>
      %get3A_385 = arith.constant 2 : i32
      %get3A_386 = arith.index_cast %get3A_385 : i32 to index
      %get3A_387 = arith.constant 1008 : index
      %get3A_388 = tpu.vector_load %arg8[%get3A_386, %get3A_387] {strides = array<i32>} : memref<32x1024xf32, #tpu.memory_space<vmem>>, vector<16xf32>,
      %add3A_389 = arith.addf %add3A_384, %get3A_388 : vector<16xf32>
      %get3A_390 = arith.constant 3 : i32
      %get3A_391 = arith.index_cast %get3A_390 : i32 to index
      %get3A_392 = arith.constant 1008 : index
      %get3A_393 = tpu.vector_load %arg8[%get3A_391, %get3A_392] {strides = array<i32>} : memref<32x1024xf32, #tpu.memory_space<vmem>>, vector<16xf32>,
      %add3A_394 = arith.addf %add3A_389, %get3A_393 : vector<16xf32>
      %get3A_395 = arith.constant 4 : i32
      %get3A_396 = arith.index_cast %get3A_395 : i32 to index
      %get3A_397 = arith.constant 1008 : index
      %get3A_398 = tpu.vector_load %arg8[%get3A_396, %get3A_397] {strides = array<i32>} : memref<32x1024xf32, #tpu.memory_space<vmem>>, vector<16xf32>,
      %add3A_399 = arith.addf %add3A_394, %get3A_398 : vector<16xf32>
      %get3A_400 = arith.constant 5 : i32
      %get3A_401 = arith.index_cast %get3A_400 : i32 to index
      %get3A_402 = arith.constant 1008 : index
      %get3A_403 = tpu.vector_load %arg8[%get3A_401, %get3A_402] {strides = array<i32>} : memref<32x1024xf32, #tpu.memory_space<vmem>>, vector<16xf32>,
      %add3A_404 = arith.addf %add3A_399, %get3A_403 : vector<16xf32>
      %get3A_405 = arith.constant 6 : i32
      %get3A_406 = arith.index_cast %get3A_405 : i32 to index
      %get3A_407 = arith.constant 1008 : index
      %get3A_408 = tpu.vector_load %arg8[%get3A_406, %get3A_407] {strides = array<i32>} : memref<32x1024xf32, #tpu.memory_space<vmem>>, vector<16xf32>,
      %add3A_409 = arith.addf %add3A_404, %get3A_408 : vector<16xf32>
      %get3A_410 = arith.constant 7 : i32
      %get3A_411 = arith.index_cast %get3A_410 : i32 to index
      %get3A_412 = arith.constant 1008 : index
      %get3A_413 = tpu.vector_load %arg8[%get3A_411, %get3A_412] {strides = array<i32>} : memref<32x1024xf32, #tpu.memory_space<vmem>>, vector<16xf32>,
      %add3A_414 = arith.addf %add3A_409, %get3A_413 : vector<16xf32>
      %get3A_415 = arith.constant 8 : i32
      %get3A_416 = arith.index_cast %get3A_415 : i32 to index
      %get3A_417 = arith.constant 1008 : index
      %get3A_418 = tpu.vector_load %arg8[%get3A_416, %get3A_417] {strides = array<i32>} : memref<32x1024xf32, #tpu.memory_space<vmem>>, vector<16xf32>,
      %add3A_419 = arith.addf %add3A_414, %get3A_418 : vector<16xf32>
      %get3A_420 = arith.constant 9 : i32
      %get3A_421 = arith.index_cast %get3A_420 : i32 to index
      %get3A_422 = arith.constant 1008 : index
      %get3A_423 = tpu.vector_load %arg8[%get3A_421, %get3A_422] {strides = array<i32>} : memref<32x1024xf32, #tpu.memory_space<vmem>>, vector<16xf32>,
      %add3A_424 = arith.addf %add3A_419, %get3A_423 : vector<16xf32>
      %get3A_425 = arith.constant 10 : i32
      %get3A_426 = arith.index_cast %get3A_425 : i32 to index
      %get3A_427 = arith.constant 1008 : index
      %get3A_428 = tpu.vector_load %arg8[%get3A_426, %get3A_427] {strides = array<i32>} : memref<32x1024xf32, #tpu.memory_space<vmem>>, vector<16xf32>,
      %add3A_429 = arith.addf %add3A_424, %get3A_428 : vector<16xf32>
      %get3A_430 = arith.constant 11 : i32
      %get3A_431 = arith.index_cast %get3A_430 : i32 to index
      %get3A_432 = arith.constant 1008 : index
      %get3A_433 = tpu.vector_load %arg8[%get3A_431, %get3A_432] {strides = array<i32>} : memref<32x1024xf32, #tpu.memory_space<vmem>>, vector<16xf32>,
      %add3A_434 = arith.addf %add3A_429, %get3A_433 : vector<16xf32>
      %get3A_435 = arith.constant 12 : i32
      %get3A_436 = arith.index_cast %get3A_435 : i32 to index
      %get3A_437 = arith.constant 1008 : index
      %get3A_438 = tpu.vector_load %arg8[%get3A_436, %get3A_437] {strides = array<i32>} : memref<32x1024xf32, #tpu.memory_space<vmem>>, vector<16xf32>,
      %add3A_439 = arith.addf %add3A_434, %get3A_438 : vector<16xf32>
      %get3A_440 = arith.constant 13 : i32
      %get3A_441 = arith.index_cast %get3A_440 : i32 to index
      %get3A_442 = arith.constant 1008 : index
      %get3A_443 = tpu.vector_load %arg8[%get3A_441, %get3A_442] {strides = array<i32>} : memref<32x1024xf32, #tpu.memory_space<vmem>>, vector<16xf32>,
      %add3A_444 = arith.addf %add3A_439, %get3A_443 : vector<16xf32>
      %get3A_445 = arith.constant 14 : i32
      %get3A_446 = arith.index_cast %get3A_445 : i32 to index
      %get3A_447 = arith.constant 1008 : index
      %get3A_448 = tpu.vector_load %arg8[%get3A_446, %get3A_447] {strides = array<i32>} : memref<32x1024xf32, #tpu.memory_space<vmem>>, vector<16xf32>,
      %add3A_449 = arith.addf %add3A_444, %get3A_448 : vector<16xf32>
      %get3A_450 = arith.constant 15 : i32
      %get3A_451 = arith.index_cast %get3A_450 : i32 to index
      %get3A_452 = arith.constant 1008 : index
      %get3A_453 = tpu.vector_load %arg8[%get3A_451, %get3A_452] {strides = array<i32>} : memref<32x1024xf32, #tpu.memory_space<vmem>>, vector<16xf32>,
      %add3A_454 = arith.addf %add3A_449, %get3A_453 : vector<16xf32>
      %get3A_455 = arith.constant 16 : i32
      %get3A_456 = arith.index_cast %get3A_455 : i32 to index
      %get3A_457 = arith.constant 1008 : index
      %get3A_458 = tpu.vector_load %arg8[%get3A_456, %get3A_457] {strides = array<i32>} : memref<32x1024xf32, #tpu.memory_space<vmem>>, vector<16xf32>,
      %add3A_459 = arith.addf %add3A_454, %get3A_458 : vector<16xf32>
      %get3A_460 = arith.constant 17 : i32
      %get3A_461 = arith.index_cast %get3A_460 : i32 to index
      %get3A_462 = arith.constant 1008 : index
      %get3A_463 = tpu.vector_load %arg8[%get3A_461, %get3A_462] {strides = array<i32>} : memref<32x1024xf32, #tpu.memory_space<vmem>>, vector<16xf32>,
      %add3A_464 = arith.addf %add3A_459, %get3A_463 : vector<16xf32>
      %get3A_465 = arith.constant 18 : i32
      %get3A_466 = arith.index_cast %get3A_465 : i32 to index
      %get3A_467 = arith.constant 1008 : index
      %get3A_468 = tpu.vector_load %arg8[%get3A_466, %get3A_467] {strides = array<i32>} : memref<32x1024xf32, #tpu.memory_space<vmem>>, vector<16xf32>,
      %add3A_469 = arith.addf %add3A_464, %get3A_468 : vector<16xf32>
      %get3A_470 = arith.constant 19 : i32
      %get3A_471 = arith.index_cast %get3A_470 : i32 to index
      %get3A_472 = arith.constant 1008 : index
      %get3A_473 = tpu.vector_load %arg8[%get3A_471, %get3A_472] {strides = array<i32>} : memref<32x1024xf32, #tpu.memory_space<vmem>>, vector<16xf32>,
      %add3A_474 = arith.addf %add3A_469, %get3A_473 : vector<16xf32>
      %get3A_475 = arith.constant 20 : i32
      %get3A_476 = arith.index_cast %get3A_475 : i32 to index
      %get3A_477 = arith.constant 1008 : index
      %get3A_478 = tpu.vector_load %arg8[%get3A_476, %get3A_477] {strides = array<i32>} : memref<32x1024xf32, #tpu.memory_space<vmem>>, vector<16xf32>,
      %add3A_479 = arith.addf %add3A_474, %get3A_478 : vector<16xf32>
      %get3A_480 = arith.constant 21 : i32
      %get3A_481 = arith.index_cast %get3A_480 : i32 to index
      %get3A_482 = arith.constant 1008 : index
      %get3A_483 = tpu.vector_load %arg8[%get3A_481, %get3A_482] {strides = array<i32>} : memref<32x1024xf32, #tpu.memory_space<vmem>>, vector<16xf32>,
      %add3A_484 = arith.addf %add3A_479, %get3A_483 : vector<16xf32>
      %get3A_485 = arith.constant 22 : i32
      %get3A_486 = arith.index_cast %get3A_485 : i32 to index
      %get3A_487 = arith.constant 1008 : index
      %get3A_488 = tpu.vector_load %arg8[%get3A_486, %get3A_487] {strides = array<i32>} : memref<32x1024xf32, #tpu.memory_space<vmem>>, vector<16xf32>,
      %add3A_489 = arith.addf %add3A_484, %get3A_488 : vector<16xf32>
      %get3A_490 = arith.constant 23 : i32
      %get3A_491 = arith.index_cast %get3A_490 : i32 to index
      %get3A_492 = arith.constant 1008 : index
      %get3A_493 = tpu.vector_load %arg8[%get3A_491, %get3A_492] {strides = array<i32>} : memref<32x1024xf32, #tpu.memory_space<vmem>>, vector<16xf32>,
      %add3A_494 = arith.addf %add3A_489, %get3A_493 : vector<16xf32>
      %get3A_495 = arith.constant 24 : i32
      %get3A_496 = arith.index_cast %get3A_495 : i32 to index
      %get3A_497 = arith.constant 1008 : index
      %get3A_498 = tpu.vector_load %arg8[%get3A_496, %get3A_497] {strides = array<i32>} : memref<32x1024xf32, #tpu.memory_space<vmem>>, vector<16xf32>,
      %add3A_499 = arith.addf %add3A_494, %get3A_498 : vector<16xf32>
      %get3A_500 = arith.constant 25 : i32
      %get3A_501 = arith.index_cast %get3A_500 : i32 to index
      %get3A_502 = arith.constant 1008 : index
      %get3A_503 = tpu.vector_load %arg8[%get3A_501, %get3A_502] {strides = array<i32>} : memref<32x1024xf32, #tpu.memory_space<vmem>>, vector<16xf32>,
      %add3A_504 = arith.addf %add3A_499, %get3A_503 : vector<16xf32>
      %get3A_505 = arith.constant 26 : i32
      %get3A_506 = arith.index_cast %get3A_505 : i32 to index
      %get3A_507 = arith.constant 1008 : index
      %get3A_508 = tpu.vector_load %arg8[%get3A_506, %get3A_507] {strides = array<i32>} : memref<32x1024xf32, #tpu.memory_space<vmem>>, vector<16xf32>,
      %add3A_509 = arith.addf %add3A_504, %get3A_508 : vector<16xf32>
      %get3A_510 = arith.constant 27 : i32
      %get3A_511 = arith.index_cast %get3A_510 : i32 to index
      %get3A_512 = arith.constant 1008 : index
      %get3A_513 = tpu.vector_load %arg8[%get3A_511, %get3A_512] {strides = array<i32>} : memref<32x1024xf32, #tpu.memory_space<vmem>>, vector<16xf32>,
      %add3A_514 = arith.addf %add3A_509, %get3A_513 : vector<16xf32>
      %get3A_515 = arith.constant 28 : i32
      %get3A_516 = arith.index_cast %get3A_515 : i32 to index
      %get3A_517 = arith.constant 1008 : index
      %get3A_518 = tpu.vector_load %arg8[%get3A_516, %get3A_517] {strides = array<i32>} : memref<32x1024xf32, #tpu.memory_space<vmem>>, vector<16xf32>,
      %add3A_519 = arith.addf %add3A_514, %get3A_518 : vector<16xf32>
      %get3A_520 = arith.constant 29 : i32
      %get3A_521 = arith.index_cast %get3A_520 : i32 to index
      %get3A_522 = arith.constant 1008 : index
      %get3A_523 = tpu.vector_load %arg8[%get3A_521, %get3A_522] {strides = array<i32>} : memref<32x1024xf32, #tpu.memory_space<vmem>>, vector<16xf32>,
      %add3A_524 = arith.addf %add3A_519, %get3A_523 : vector<16xf32>
      %get3A_525 = arith.constant 30 : i32
      %get3A_526 = arith.index_cast %get3A_525 : i32 to index
      %get3A_527 = arith.constant 1008 : index
      %get3A_528 = tpu.vector_load %arg8[%get3A_526, %get3A_527] {strides = array<i32>} : memref<32x1024xf32, #tpu.memory_space<vmem>>, vector<16xf32>,
      %add3A_529 = arith.addf %add3A_524, %get3A_528 : vector<16xf32>
      %get3A_530 = arith.constant 31 : i32
      %get3A_531 = arith.index_cast %get3A_530 : i32 to index
      %get3A_532 = arith.constant 1008 : index
      %get3A_533 = tpu.vector_load %arg8[%get3A_531, %get3A_532] {strides = array<i32>} : memref<32x1024xf32, #tpu.memory_space<vmem>>, vector<16xf32>,
      %add3A_534 = arith.addf %add3A_529, %get3A_533 : vector<16xf32>
      %get3A_535 = arith.constant 0 : i32
      %get3A_536 = arith.index_cast %get3A_535 : i32 to index
      %get3A_537 = arith.constant 992 : index
      %get3A_538 = tpu.vector_load %arg8[%get3A_536, %get3A_537] {strides = array<i32>} : memref<32x1024xf32, #tpu.memory_space<vmem>>, vector<16xf32>,
      %add3A_539 = arith.addf %add3A_534, %get3A_538 : vector<16xf32>
      %get3A_540 = arith.constant 1 : i32
      %get3A_541 = arith.index_cast %get3A_540 : i32 to index
      %get3A_542 = arith.constant 992 : index
      %get3A_543 = tpu.vector_load %arg8[%get3A_541, %get3A_542] {strides = array<i32>} : memref<32x1024xf32, #tpu.memory_space<vmem>>, vector<16xf32>,
      %add3A_544 = arith.addf %add3A_539, %get3A_543 : vector<16xf32>
      %get3A_545 = arith.constant 2 : i32
      %get3A_546 = arith.index_cast %get3A_545 : i32 to index
      %get3A_547 = arith.constant 992 : index
      %get3A_548 = tpu.vector_load %arg8[%get3A_546, %get3A_547] {strides = array<i32>} : memref<32x1024xf32, #tpu.memory_space<vmem>>, vector<16xf32>,
      %add3A_549 = arith.addf %add3A_544, %get3A_548 : vector<16xf32>
      %get3A_550 = arith.constant 3 : i32
      %get3A_551 = arith.index_cast %get3A_550 : i32 to index
      %get3A_552 = arith.constant 992 : index
      %get3A_553 = tpu.vector_load %arg8[%get3A_551, %get3A_552] {strides = array<i32>} : memref<32x1024xf32, #tpu.memory_space<vmem>>, vector<16xf32>,
      %add3A_554 = arith.addf %add3A_549, %get3A_553 : vector<16xf32>
      %get3A_555 = arith.constant 4 : i32
      %get3A_556 = arith.index_cast %get3A_555 : i32 to index
      %get3A_557 = arith.constant 992 : index
      %get3A_558 = tpu.vector_load %arg8[%get3A_556, %get3A_557] {strides = array<i32>} : memref<32x1024xf32, #tpu.memory_space<vmem>>, vector<16xf32>,
      %add3A_559 = arith.addf %add3A_554, %get3A_558 : vector<16xf32>
      %get3A_560 = arith.constant 5 : i32
      %get3A_561 = arith.index_cast %get3A_560 : i32 to index
      %get3A_562 = arith.constant 992 : index
      %get3A_563 = tpu.vector_load %arg8[%get3A_561, %get3A_562] {strides = array<i32>} : memref<32x1024xf32, #tpu.memory_space<vmem>>, vector<16xf32>,
      %add3A_564 = arith.addf %add3A_559, %get3A_563 : vector<16xf32>
      %get3A_565 = arith.constant 6 : i32
      %get3A_566 = arith.index_cast %get3A_565 : i32 to index
      %get3A_567 = arith.constant 992 : index
      %get3A_568 = tpu.vector_load %arg8[%get3A_566, %get3A_567] {strides = array<i32>} : memref<32x1024xf32, #tpu.memory_space<vmem>>, vector<16xf32>,
      %add3A_569 = arith.addf %add3A_564, %get3A_568 : vector<16xf32>
      %get3A_570 = arith.constant 7 : i32
      %get3A_571 = arith.index_cast %get3A_570 : i32 to index
      %get3A_572 = arith.constant 992 : index
      %get3A_573 = tpu.vector_load %arg8[%get3A_571, %get3A_572] {strides = array<i32>} : memref<32x1024xf32, #tpu.memory_space<vmem>>, vector<16xf32>,
      %add3A_574 = arith.addf %add3A_569, %get3A_573 : vector<16xf32>
      %get3A_575 = arith.constant 8 : i32
      %get3A_576 = arith.index_cast %get3A_575 : i32 to index
      %get3A_577 = arith.constant 992 : index
      %get3A_578 = tpu.vector_load %arg8[%get3A_576, %get3A_577] {strides = array<i32>} : memref<32x1024xf32, #tpu.memory_space<vmem>>, vector<16xf32>,
      %add3A_579 = arith.addf %add3A_574, %get3A_578 : vector<16xf32>
      %get3A_580 = arith.constant 9 : i32
      %get3A_581 = arith.index_cast %get3A_580 : i32 to index
      %get3A_582 = arith.constant 992 : index
      %get3A_583 = tpu.vector_load %arg8[%get3A_581, %get3A_582] {strides = array<i32>} : memref<32x1024xf32, #tpu.memory_space<vmem>>, vector<16xf32>,
      %add3A_584 = arith.addf %add3A_579, %get3A_583 : vector<16xf32>
      %get3A_585 = arith.constant 10 : i32
      %get3A_586 = arith.index_cast %get3A_585 : i32 to index
      %get3A_587 = arith.constant 992 : index
      %get3A_588 = tpu.vector_load %arg8[%get3A_586, %get3A_587] {strides = array<i32>} : memref<32x1024xf32, #tpu.memory_space<vmem>>, vector<16xf32>,
      %add3A_589 = arith.addf %add3A_584, %get3A_588 : vector<16xf32>
      %get3A_590 = arith.constant 11 : i32
      %get3A_591 = arith.index_cast %get3A_590 : i32 to index
      %get3A_592 = arith.constant 992 : index
      %get3A_593 = tpu.vector_load %arg8[%get3A_591, %get3A_592] {strides = array<i32>} : memref<32x1024xf32, #tpu.memory_space<vmem>>, vector<16xf32>,
      %add3A_594 = arith.addf %add3A_589, %get3A_593 : vector<16xf32>
      %get3A_595 = arith.constant 12 : i32
      %get3A_596 = arith.index_cast %get3A_595 : i32 to index
      %get3A_597 = arith.constant 992 : index
      %get3A_598 = tpu.vector_load %arg8[%get3A_596, %get3A_597] {strides = array<i32>} : memref<32x1024xf32, #tpu.memory_space<vmem>>, vector<16xf32>,
      %add3A_599 = arith.addf %add3A_594, %get3A_598 : vector<16xf32>
      %get3A_600 = arith.constant 13 : i32
      %get3A_601 = arith.index_cast %get3A_600 : i32 to index
      %get3A_602 = arith.constant 992 : index
      %get3A_603 = tpu.vector_load %arg8[%get3A_601, %get3A_602] {strides = array<i32>} : memref<32x1024xf32, #tpu.memory_space<vmem>>, vector<16xf32>,
      %add3A_604 = arith.addf %add3A_599, %get3A_603 : vector<16xf32>
      %get3A_605 = arith.constant 14 : i32
      %get3A_606 = arith.index_cast %get3A_605 : i32 to index
      %get3A_607 = arith.constant 992 : index
      %get3A_608 = tpu.vector_load %arg8[%get3A_606, %get3A_607] {strides = array<i32>} : memref<32x1024xf32, #tpu.memory_space<vmem>>, vector<16xf32>,
      %add3A_609 = arith.addf %add3A_604, %get3A_608 : vector<16xf32>
      %get3A_610 = arith.constant 15 : i32
      %get3A_611 = arith.index_cast %get3A_610 : i32 to index
      %get3A_612 = arith.constant 992 : index
      %get3A_613 = tpu.vector_load %arg8[%get3A_611, %get3A_612] {strides = array<i32>} : memref<32x1024xf32, #tpu.memory_space<vmem>>, vector<16xf32>,
      %add3A_614 = arith.addf %add3A_609, %get3A_613 : vector<16xf32>
      %get3A_615 = arith.constant 16 : i32
      %get3A_616 = arith.index_cast %get3A_615 : i32 to index
      %get3A_617 = arith.constant 992 : index
      %get3A_618 = tpu.vector_load %arg8[%get3A_616, %get3A_617] {strides = array<i32>} : memref<32x1024xf32, #tpu.memory_space<vmem>>, vector<16xf32>,
      %add3A_619 = arith.addf %add3A_614, %get3A_618 : vector<16xf32>
      %get3A_620 = arith.constant 17 : i32
      %get3A_621 = arith.index_cast %get3A_620 : i32 to index
      %get3A_622 = arith.constant 992 : index
      %get3A_623 = tpu.vector_load %arg8[%get3A_621, %get3A_622] {strides = array<i32>} : memref<32x1024xf32, #tpu.memory_space<vmem>>, vector<16xf32>,
      %add3A_624 = arith.addf %add3A_619, %get3A_623 : vector<16xf32>
      %get3A_625 = arith.constant 18 : i32
      %get3A_626 = arith.index_cast %get3A_625 : i32 to index
      %get3A_627 = arith.constant 992 : index
      %get3A_628 = tpu.vector_load %arg8[%get3A_626, %get3A_627] {strides = array<i32>} : memref<32x1024xf32, #tpu.memory_space<vmem>>, vector<16xf32>,
      %add3A_629 = arith.addf %add3A_624, %get3A_628 : vector<16xf32>
      %get3A_630 = arith.constant 19 : i32
      %get3A_631 = arith.index_cast %get3A_630 : i32 to index
      %get3A_632 = arith.constant 992 : index
      %get3A_633 = tpu.vector_load %arg8[%get3A_631, %get3A_632] {strides = array<i32>} : memref<32x1024xf32, #tpu.memory_space<vmem>>, vector<16xf32>,
      %add3A_634 = arith.addf %add3A_629, %get3A_633 : vector<16xf32>
      %get3A_635 = arith.constant 20 : i32
      %get3A_636 = arith.index_cast %get3A_635 : i32 to index
      %get3A_637 = arith.constant 992 : index
      %get3A_638 = tpu.vector_load %arg8[%get3A_636, %get3A_637] {strides = array<i32>} : memref<32x1024xf32, #tpu.memory_space<vmem>>, vector<16xf32>,
      %add3A_639 = arith.addf %add3A_634, %get3A_638 : vector<16xf32>
      %get3A_640 = arith.constant 21 : i32
      %get3A_641 = arith.index_cast %get3A_640 : i32 to index
      %get3A_642 = arith.constant 992 : index
      %get3A_643 = tpu.vector_load %arg8[%get3A_641, %get3A_642] {strides = array<i32>} : memref<32x1024xf32, #tpu.memory_space<vmem>>, vector<16xf32>,
      %add3A_644 = arith.addf %add3A_639, %get3A_643 : vector<16xf32>
      %get3A_645 = arith.constant 22 : i32
      %get3A_646 = arith.index_cast %get3A_645 : i32 to index
      %get3A_647 = arith.constant 992 : index
      %get3A_648 = tpu.vector_load %arg8[%get3A_646, %get3A_647] {strides = array<i32>} : memref<32x1024xf32, #tpu.memory_space<vmem>>, vector<16xf32>,
      %add3A_649 = arith.addf %add3A_644, %get3A_648 : vector<16xf32>
      %get3A_650 = arith.constant 23 : i32
      %get3A_651 = arith.index_cast %get3A_650 : i32 to index
      %get3A_652 = arith.constant 992 : index
      %get3A_653 = tpu.vector_load %arg8[%get3A_651, %get3A_652] {strides = array<i32>} : memref<32x1024xf32, #tpu.memory_space<vmem>>, vector<16xf32>,
      %add3A_654 = arith.addf %add3A_649, %get3A_653 : vector<16xf32>
      %get3A_655 = arith.constant 24 : i32
      %get3A_656 = arith.index_cast %get3A_655 : i32 to index
      %get3A_657 = arith.constant 992 : index
      %get3A_658 = tpu.vector_load %arg8[%get3A_656, %get3A_657] {strides = array<i32>} : memref<32x1024xf32, #tpu.memory_space<vmem>>, vector<16xf32>,
      %add3A_659 = arith.addf %add3A_654, %get3A_658 : vector<16xf32>
      %get3A_660 = arith.constant 25 : i32
      %get3A_661 = arith.index_cast %get3A_660 : i32 to index
      %get3A_662 = arith.constant 992 : index
      %get3A_663 = tpu.vector_load %arg8[%get3A_661, %get3A_662] {strides = array<i32>} : memref<32x1024xf32, #tpu.memory_space<vmem>>, vector<16xf32>,
      %add3A_664 = arith.addf %add3A_659, %get3A_663 : vector<16xf32>
      %get3A_665 = arith.constant 26 : i32
      %get3A_666 = arith.index_cast %get3A_665 : i32 to index
      %get3A_667 = arith.constant 992 : index
      %get3A_668 = tpu.vector_load %arg8[%get3A_666, %get3A_667] {strides = array<i32>} : memref<32x1024xf32, #tpu.memory_space<vmem>>, vector<16xf32>,
      %add3A_669 = arith.addf %add3A_664, %get3A_668 : vector<16xf32>
      %get3A_670 = arith.constant 27 : i32
      %get3A_671 = arith.index_cast %get3A_670 : i32 to index
      %get3A_672 = arith.constant 992 : index
      %get3A_673 = tpu.vector_load %arg8[%get3A_671, %get3A_672] {strides = array<i32>} : memref<32x1024xf32, #tpu.memory_space<vmem>>, vector<16xf32>,
      %add3A_674 = arith.addf %add3A_669, %get3A_673 : vector<16xf32>
      %get3A_675 = arith.constant 28 : i32
      %get3A_676 = arith.index_cast %get3A_675 : i32 to index
      %get3A_677 = arith.constant 992 : index
      %get3A_678 = tpu.vector_load %arg8[%get3A_676, %get3A_677] {strides = array<i32>} : memref<32x1024xf32, #tpu.memory_space<vmem>>, vector<16xf32>,
      %add3A_679 = arith.addf %add3A_674, %get3A_678 : vector<16xf32>
      %get3A_680 = arith.constant 29 : i32
      %get3A_681 = arith.index_cast %get3A_680 : i32 to index
      %get3A_682 = arith.constant 992 : index
      %get3A_683 = tpu.vector_load %arg8[%get3A_681, %get3A_682] {strides = array<i32>} : memref<32x1024xf32, #tpu.memory_space<vmem>>, vector<16xf32>,
      %add3A_684 = arith.addf %add3A_679, %get3A_683 : vector<16xf32>
      %get3A_685 = arith.constant 30 : i32
      %get3A_686 = arith.index_cast %get3A_685 : i32 to index
      %get3A_687 = arith.constant 992 : index
      %get3A_688 = tpu.vector_load %arg8[%get3A_686, %get3A_687] {strides = array<i32>} : memref<32x1024xf32, #tpu.memory_space<vmem>>, vector<16xf32>,
      %add3A_689 = arith.addf %add3A_684, %get3A_688 : vector<16xf32>
      %get3A_690 = arith.constant 31 : i32
      %get3A_691 = arith.index_cast %get3A_690 : i32 to index
      %get3A_692 = arith.constant 992 : index
      %get3A_693 = tpu.vector_load %arg8[%get3A_691, %get3A_692] {strides = array<i32>} : memref<32x1024xf32, #tpu.memory_space<vmem>>, vector<16xf32>,
      %add3A_694 = arith.addf %add3A_689, %get3A_693 : vector<16xf32>
      %reduce_sum3A_695 = arith.constant true
      %reduce_sum3A_696 = vector.broadcast %reduce_sum3A_695 : i1 to vector<16xi1>
      %reduce_sum3A_697 = tpu.scan <sum>, %add3A_694 masked %reduce_sum3A_696 : vector<16xf32>, vector<16xi1> -> vector<16xf32>
      %reduce_sum3A_698 = vector.extract %reduce_sum3A_697[15] : f32 from vector<16xf32>
      %eq3A_699 = arith.cmpf oeq, %reduce_sum3A_698, %reduce_sum3A_698 : f32
      %convert_element_type3A_700 = arith.extui %eq3A_699 : i1 to i32
      %cond3A_701 = arith.constant 0 : i32
      %cond3A_702 = arith.cmpi ne, %convert_element_type3A_700, %cond3A_701 : i32
      scf.if %cond3A_702 {
        %dma_start3A = arith.constant 0 : i32
        %dma_start3A_703 = tpu.memref_slice %arg4[%add3A_28, %min3A_3, %dma_start3A] : memref<50x1000x1024xf32, #tpu.memory_space<hbm>> -> memref<1x32x1024xf32, #tpu.memory_space<hbm>>
        %dma_start3A_704 = tpu.memref_squeeze %dma_start3A_703 : memref<1x32x1024xf32, #tpu.memory_space<hbm>> -> memref<32x1024xf32, #tpu.memory_space<hbm>>
        %dma_start3A_705 = arith.constant 0 : i32
        %dma_start3A_706 = tpu.memref_slice %arg4[%add3A_28, %min3A_3, %dma_start3A_705] : memref<50x1000x1024xf32, #tpu.memory_space<hbm>> -> memref<1x32x1024xf32, #tpu.memory_space<hbm>>
        %dma_start3A_707 = tpu.memref_squeeze %dma_start3A_706 : memref<1x32x1024xf32, #tpu.memory_space<hbm>> -> memref<32x1024xf32, #tpu.memory_space<hbm>>
        tpu.enqueue_dma source(%arg8 : memref<32x1024xf32, #tpu.memory_space<vmem>>) target(%dma_start3A_707 : memref<32x1024xf32, #tpu.memory_space<hbm>>) target_semaphore(%arg10 : memref<!tpu.dma_semaphore, #tpu.memory_space<semaphore_mem>>)
      } else {
      }
    }
    %scan3A_10 = arith.constant 25 : i32
    %dma_wait3A = arith.constant 48 : i32
    %dma_wait3A_11 = arith.constant 0 : i32
    %dma_wait3A_12 = tpu.memref_slice %arg4[%dma_wait3A, %min3A_3, %dma_wait3A_11] : memref<50x1000x1024xf32, #tpu.memory_space<hbm>> -> memref<1x32x1024xf32, #tpu.memory_space<hbm>>
    %dma_wait3A_13 = tpu.memref_squeeze %dma_wait3A_12 : memref<1x32x1024xf32, #tpu.memory_space<hbm>> -> memref<32x1024xf32, #tpu.memory_space<hbm>>
    %dma_wait3A_14 = arith.constant 0 : i32
    %dma_wait3A_15 = tpu.memref_slice %arg4[%dma_wait3A, %min3A_3, %dma_wait3A_14] : memref<50x1000x1024xf32, #tpu.memory_space<hbm>> -> memref<1x32x1024xf32, #tpu.memory_space<hbm>>
    %dma_wait3A_16 = tpu.memref_squeeze %dma_wait3A_15 : memref<1x32x1024xf32, #tpu.memory_space<hbm>> -> memref<32x1024xf32, #tpu.memory_space<hbm>>
    tpu.wait_dma2 semaphore(%arg9 : memref<!tpu.dma_semaphore, #tpu.memory_space<semaphore_mem>>) src(%arg7 : memref<32x1024xf32, #tpu.memory_space<vmem>>) dst(%dma_wait3A_16 : memref<32x1024xf32, #tpu.memory_space<hbm>>)
    %dma_wait3A_17 = arith.constant 49 : i32
    %dma_wait3A_18 = arith.constant 0 : i32
    %dma_wait3A_19 = tpu.memref_slice %arg4[%dma_wait3A_17, %min3A_3, %dma_wait3A_18] : memref<50x1000x1024xf32, #tpu.memory_space<hbm>> -> memref<1x32x1024xf32, #tpu.memory_space<hbm>>
    %dma_wait3A_20 = tpu.memref_squeeze %dma_wait3A_19 : memref<1x32x1024xf32, #tpu.memory_space<hbm>> -> memref<32x1024xf32, #tpu.memory_space<hbm>>
    %dma_wait3A_21 = arith.constant 0 : i32
    %dma_wait3A_22 = tpu.memref_slice %arg4[%dma_wait3A_17, %min3A_3, %dma_wait3A_21] : memref<50x1000x1024xf32, #tpu.memory_space<hbm>> -> memref<1x32x1024xf32, #tpu.memory_space<hbm>>
    %dma_wait3A_23 = tpu.memref_squeeze %dma_wait3A_22 : memref<1x32x1024xf32, #tpu.memory_space<hbm>> -> memref<32x1024xf32, #tpu.memory_space<hbm>>
    tpu.wait_dma2 semaphore(%arg10 : memref<!tpu.dma_semaphore, #tpu.memory_space<semaphore_mem>>) src(%arg8 : memref<32x1024xf32, #tpu.memory_space<vmem>>) dst(%dma_wait3A_23 : memref<32x1024xf32, #tpu.memory_space<hbm>>)
    return
  }
}

module attributes {stable_mosaic.version = 14 : i64} {
  func.func @_fused_mm_body(%arg0: memref<1000x64xf32, #tpu.memory_space<vmem>>, %arg1: memref<128x64xf32, #tpu.memory_space<vmem>>, %arg2: memref<1000x128xf32, #tpu.memory_space<vmem>>) attributes {dimension_semantics = [], scalar_prefetch = 0 : i64, scratch_operands = 0 : i64, tpu.core_type = #tpu.core_type<tc>} {
    %get3A = arith.constant 0 : index
    %get3A_0 = arith.constant 0 : index
    %get3A_1 = vector.load %arg0[%get3A, %get3A_0] : memref<1000x64xf32, #tpu.memory_space<vmem>>, vector<1000x64xf32>
    %get3A_2 = arith.constant 0 : index
    %get3A_3 = arith.constant 0 : index
    %get3A_4 = vector.load %arg1[%get3A_2, %get3A_3] : memref<128x64xf32, #tpu.memory_space<vmem>>, vector<128x64xf32>
    %dot_general3A = arith.constant dense<0.000000e+00> : vector<1000x128xf32>
    %dot_general3A_5 = tpu.matmul %get3A_1, %get3A_4, %dot_general3A {dimension_numbers = #tpu.dot_dimension_numbers<[1], [1], [0], [0], [0, 0, 1, 0], [], []>, transpose_lhs_hint = false} : vector<1000x64xf32>, vector<128x64xf32>, vector<1000x128xf32> -> vector<1000x128xf32>
    %swap3A = arith.constant 0 : index
    %swap3A_6 = arith.constant 0 : index
    %swap3A_7 = vector.load %arg2[%swap3A, %swap3A_6] : memref<1000x128xf32, #tpu.memory_space<vmem>>, vector<1000x128xf32>
    tpu.vector_store %arg2[%swap3A, %swap3A_6], %dot_general3A_5 {strides = array<i32>} : memref<1000x128xf32, #tpu.memory_space<vmem>>, vector<1000x128xf32>,
    return
  }
}

</mosaic_0001>

<sc_bundles>
// kernel: kernel.4.cloned.1.call-start
scs
__scs_entry_jumppad:
0x0: {  	(pc) =	sbr.rel $0x88, $3  }
0x1: {  	(tag) =	ssettag $0x0;
	lr =	simm.s32 $0x1  }
0x2: {  	[smem:$0x3F9E] =	sst lr;
	_ =	strace $0xD0000000  }
0x3: {  	_ = 	snop  }
0x4: {  	_ = 	snop  }
0x5: {  	_ = 	snop  }
0x6: {  	_ = 	snop  }
0x7: {  	_ = 	snop  }
__scs_overlays_trampoline_lowered:
0x8: {  	[smem:$0x3FAD] =	sst s0  }
0x9: {  	[smem:$0x3FAE] =	sst s1  }
0xa: {  	[smem:$0x3FAF] =	sst s2  }
0xb: {  	[smem:$0x3FB0] =	sst s3  }
0xc: {  	[smem:$0x3FB1] =	sst s4  }
0xd: {  	[smem:$0x3FB2] =	sst s5  }
0xe: {  	[smem:$0x3FB3] =	sst s6  }
0xf: {  	[smem:$0x3FB4] =	sst s7  }
0x10: {  	[smem:$0x3FB5] =	sst s8  }
0x11: {  	[smem:$0x3FB6] =	sst s9;
	s0 =	simm.s32 @!p0 $0x0  }
0x12: {  	s1 =	sld [smem:$0x3F9C];
	s0 =	simm.s32 @p0 $0x1  }
0x13: {  	[smem:$0x3FB7] =	sst s0;
	s0 =	simm.s32 @!p1 $0x0  }
0x14: {  	s2 =	sld [smem:$0x3F9B];
	s0 =	simm.s32 @p1 $0x1  }
0x15: {  	[smem:$0x3FB8] =	sst s0;
	s0 =	simm.s32 @!p2 $0x0  }
0x16: {  	s3 =	sld [smem:$0x3FDB];
	s0 =	simm.s32 @p2 $0x1  }
0x17: {  	s4 =	simm.s32 $0x1BF5;
	[smem:$0x3FBA] =	sst s0  }
0x18: {  	s0 =	sld [smem:$0x3F9D];
	_ =	swait.ge [sflag:s4], $0x0  }
0x19: {  	s7 =	sld [smem:$0x3F9E]  }
0x1a: {  	s8 =	sadd.s32 $0xFFFFE003, lr  }
0x1b: {  	s9 =	sadd.s32 $0xFFFFFEF7, lr;
	s5 =	simm.s32 $0xFFFFFFFF;
	p2 =	slt.u32 s8, $0xFFFFF086  }
0x1c: {  	p1 =	slt.u32 s9, $0xF7A;
	s5 =	simm.s32 @!p2 $0x0  }
0x1d: {  	s5 =	simm.s32 @p1 $0x1;
	p0 =	seq.s32 s7, s2  }
0x1e: {  	s7 =	smul.u32 @!p0 $0xF7A, s2;
	p2 =	seq.s32 @!p0 s5, $0x0  }
0x1f: {  	s9 =	smul.u32 $0xF7A, s1;
	s8 =	simm.s32 @!p0 $0x1BF5;
	p2 =	por !p2, p0  }
0x20: {  	[sflag:s8] =	ssyncset.s32 @!p0 $0xFFFFF086;
	s6 =	sadd.s32 @!p0 s3, s7;
	s7 =	simm.s32 @!p0 $0x108  }
0x21: {  	s3 =	sadd.s32 s3, s9;
	s6 =	sadd.s32 @!p0 $0x88, s6;
	s7 =	simm.s32 @p2 $0x1082  }
0x22: {  	[simem:s7], [sflag:s8] =	dma.local @!p0 [hbm:s6], $0xF7A  }
0x23: {  	s9 =	sor.u32 $0xD0000000, s2;
	s6 =	simm.s32 $0x108;
	_ =	swait.ge @!p0 [sflag:s8], $0x0  }
0x24: {  	s3 =	sadd.s32 $0x88, s3;
	s6 =	simm.s32 @!p1 $0x1082;
	[sflag:s4] =	ssyncset.s32 $0xFFFFF086  }
0x25: {  	[simem:s6], [sflag:s4] =	dma.local [hbm:s3], $0xF7A  }
0x26: {  	[smem:$0x3F9E] =	sst s1;
	(tag) =	ssettag s2;
	_ =	strace s9  }
0x27: {  	s1 =	sld [smem:$0x3FAE]  }
0x28: {  	s2 =	sld [smem:$0x3FAF]  }
0x29: {  	s4 =	sld [smem:$0x3FB1]  }
0x2a: {  	p0 =	seq.s32 s5, $0x0;
	s5 =	sld [smem:$0x3FB2]  }
0x2b: {  	s6 =	sld [smem:$0x3FB3]  }
0x2c: {  	s7 =	sld [smem:$0x3FB4]  }
0x2d: {  	s3 =	simm.s32 $0x108;
	s8 =	sld [smem:$0x3FB5]  }
0x2e: {  	s3 =	simm.s32 @!p0 $0x1082;
	s9 =	sld [smem:$0x3FB6]  }
0x2f: {  	lr =	sadd.s32 s0, s3;
	s0 =	sld [smem:$0x3FAD]  }
0x30: {  	s3 =	sld [smem:$0x3FB0]  }
0x31: {  	[smem:$0x3FB9] =	sst s10  }
0x32: {  	s10 =	sld [smem:$0x3FB7];
	_ =	sdelay $0x3  }
0x33: {  	p0 =	seq.s32 s10, $0x1;
	s10 =	sld [smem:$0x3FB9];
	_ =	sdelay $0x3  }
0x34: {  	[smem:$0x3FB9] =	sst s10  }
0x35: {  	s10 =	sld [smem:$0x3FB8];
	_ =	sdelay $0x3  }
0x36: {  	p1 =	seq.s32 s10, $0x1;
	s10 =	sld [smem:$0x3FB9];
	_ =	sdelay $0x3  }
0x37: {  	[smem:$0x3FB9] =	sst s10  }
0x38: {  	s10 =	sld [smem:$0x3FBA]  }
0x39: {  	_ = 	snop;
	(pc) =	sbr.ind lr, $3  }
0x3a: {  	_ = 	snop  }
0x3b: {  	_ = 	snop  }
0x3c: {  	p2 =	seq.s32 s10, $0x1;
	s10 =	sld [smem:$0x3FB9]  }
0x3d: {  	_ =	shalt  }
0x3e: {  	_ =	shalt  }
0x3f: {  	_ =	shalt  }
0x40: {  	_ =	shalt  }
0x41: {  	_ =	shalt  }
0x42: {  	_ =	shalt  }
0x43: {  	_ =	shalt  }
0x44: {  	_ =	shalt  }
0x45: {  	_ =	shalt  }
0x46: {  	_ =	shalt  }
0x47: {  	_ =	shalt  }
0x48: {  	_ =	shalt  }
0x49: {  	_ =	shalt  }
0x4a: {  	_ =	shalt  }
0x4b: {  	_ =	shalt  }
0x4c: {  	_ =	shalt  }
0x4d: {  	_ =	shalt  }
0x4e: {  	_ =	shalt  }
0x4f: {  	_ =	shalt  }
0x50: {  	_ =	shalt  }
0x51: {  	_ =	shalt  }
0x52: {  	_ =	shalt  }
0x53: {  	_ =	shalt  }
0x54: {  	_ =	shalt  }
0x55: {  	_ =	shalt  }
0x56: {  	_ =	shalt  }
0x57: {  	_ =	shalt  }
0x58: {  	_ =	shalt  }
0x59: {  	_ =	shalt  }
0x5a: {  	_ =	shalt  }
0x5b: {  	_ =	shalt  }
0x5c: {  	_ =	shalt  }
0x5d: {  	_ =	shalt  }
0x5e: {  	_ =	shalt  }
0x5f: {  	_ =	shalt  }
0x60: {  	_ =	shalt  }
0x61: {  	_ =	shalt  }
0x62: {  	_ =	shalt  }
0x63: {  	_ =	shalt  }
0x64: {  	_ =	shalt  }
0x65: {  	_ =	shalt  }
0x66: {  	_ =	shalt  }
0x67: {  	_ =	shalt  }
0x68: {  	_ =	shalt  }
0x69: {  	_ =	shalt  }
0x6a: {  	_ =	shalt  }
0x6b: {  	_ =	shalt  }
0x6c: {  	_ =	shalt  }
0x6d: {  	_ =	shalt  }
0x6e: {  	_ =	shalt  }
0x6f: {  	_ =	shalt  }
0x70: {  	_ =	shalt  }
0x71: {  	_ =	shalt  }
0x72: {  	_ =	shalt  }
0x73: {  	_ =	shalt  }
0x74: {  	_ =	shalt  }
0x75: {  	_ =	shalt  }
0x76: {  	_ =	shalt  }
0x77: {  	_ =	shalt  }
0x78: {  	_ =	shalt  }
0x79: {  	_ =	shalt  }
0x7a: {  	_ =	shalt  }
0x7b: {  	_ =	shalt  }
0x7c: {  	_ =	shalt  }
0x7d: {  	_ =	shalt  }
0x7e: {  	_ =	shalt  }
0x7f: {  	_ =	shalt  }
0x80: {  	_ =	shalt  }
0x81: {  	_ =	shalt  }
0x82: {  	_ =	shalt  }
0x83: {  	_ =	shalt  }
0x84: {  	_ =	shalt  }
0x85: {  	_ =	shalt  }
0x86: {  	_ =	shalt  }
0x87: {  	_ =	shalt  }
.Lfunc_end0:
.L_simem_size_0:
called_computation_lowered:
.L_overlay_start_0:
0x88: {  	s2 =	sld [smem:$0x3FD9]  }
0x89: {  	s3 =	sld [smem:$0x3FFE];
	_ =	sdelay $0x1  }
0x8a: {  	s1 =	srdreg.scid  }
0x8b: {  	s0 =	sand.u32 $0x1, s1  }
0x8c: {  	s17 =	sshll.u32 s0, $0xA;
	s2 =	sadd.s32 s3, s2  }
0x8d: {  	s2 =	sadd.s32 s2, s17  }
0x8e: {  	[smem:$0x3FC5] =	sst s2  }
0x8f: {  	_ = 	snop  }
0x90: {  	s2 =	sld [smem:$0x3FD0];
	(tm) =	ssettm $0x1  }
0x91: {  	s18 =	sld [smem:$0x3FFB];
	_ =	sdelay $0x3  }
0x92: {  	_ =	strace s18  }
0x93: {  	s3 =	sld [smem:$0x3FFC];
	_ =	sdelay $0x3  }
0x94: {  	_ =	strace s3  }
0x95: {  	s3 =	sld [smem:$0x3FFD];
	_ =	sdelay $0x3  }
0x96: {  	_ =	strace s3  }
0x97: {  	_ =	strace $0x8FFFFFFF  }
0x98: {  	s19 =	sld [smem:$0x3FDB];
	_ =	sdelay $0x1  }
0x99: {  	s4 =	simm.s32 $_scs_section_size  }
0x9a: {  	s5 =	simm.s32 $_size__tile_overlayer_lowered;
	s6 =	simm.s32 $_tile_overlayer_lowered  }
0x9b: {  	s22 =	simm.s32 $0x1BFF;
	s21 =	sshll.u32 s6, $0x1;
	s3 =	sadd.s32 s4, s19  }
0x9c: {  	s7 =	simm.s32 $0x0;
	s20 =	sshll.u32 s5, $0x1;
	s5 =	sadd.s32 s21, s3  }
0x9d: {  	[timem:s7], [sflag:s22] =	dma.local [hbm:s5], s20  }
0x9e: {  	_ =	swait.ge [sflag:s22], s20  }
0x9f: {  	s4 =	ssub.s32 $0x0, s20;
	[sflag:s22] =	ssyncset.done $0x0  }
0xa0: {  	[sflag:s22] =	ssyncadd.s32 s4;
	_ =	sdelay $0x1  }
0xa1: {  	s23 =	simm.s32 $0x1B8B  }
0xa2: {  	_ =	swait.ge [sflag:s23], $0x1  }
0xa3: {  	[sflag:s23] =	ssyncset.done $0x0  }
0xa4: {  	s25 =	simm.s32 $0x1B8E;
	s24 =	sld [smem:$0x3FFE];
	[sflag:s23] =	ssyncadd.s32 $0xFFFFFFFF  }
0xa5: {  	s26 =	simm.s32 $execute0_lowered;
	[smem:$0x3FD2] =	sst s25  }
0xa6: {  	s5 =	sshll.u32 s26, $0x1;
	_ =	strace $0x80000046;
	[dreg:$0x1] =	wrdreg $0xFFFFFFFF  }
0xa7: {  	s28 =	simm.s32 $_size_execute0_lowered;
	s3 =	sadd.s32 s3, s5;
	[dreg:$0x0] =	wrdreg $0x0  }
0xa8: {  	s5 =	sshll.u32 s28, $0x1;
	[dreg:$0x2] =	wrdreg s3  }
0xa9: {  	[dreg:$0x3] =	wrdreg s5  }
0xaa: {  	[dreg:$0x4] =	wrdreg $0xC0  }
0xab: {  	_ =	task [dreg:s7], $0x5FFFF  }
0xac: {  	[dreg:$0x1] =	wrdreg $0xFFFFFFFF  }
0xad: {  	[dreg:$0x0] =	wrdreg $0x60  }
0xae: {  	[dreg:$0x2] =	wrdreg s24  }
0xaf: {  	[dreg:$0x3] =	wrdreg s2  }
0xb0: {  	[dreg:$0x4] =	wrdreg $0x9  }
0xb1: {  	_ =	task.clear_ibuf [dreg:s7], $0x5FFFF;
	_ =	strace $0x90000046  }
0xb2: {  	s29 =	simm.s32 $0x9;
	_ =	strace $0x80000048  }
0xb3: {  	_ =	swait.ge [sflag:s29], $0x1  }
0xb4: {  	[sflag:s29] =	ssyncadd.s32 $0xFFFFFFFF  }
0xb5: {  	_ =	strace $0x90000048  }
0xb6: {  	_ =	sfence  }
0xb7: {  	s30 =	sld [smem:$0x0];
	_ =	sdelay $0x2  }
0xb8: {  	s31 =	sshll.u32 s1, $0xD;
	s1 =	sshrl.u32 s1, $0x2  }
0xb9: {  	s3 =	sand.u32 $0x4000, s31;
	s1 =	sadd.s32 s1, s30  }
0xba: {  	s0 =	sor.u32 s3, s0;
	s1 =	sshll.u32 s1, $0x11  }
0xbb: {  	s0 =	sor.u32 s1, s0  }
0xbc: {  	s0 =	sadd.s32 $0x8F2B, s0  }
0xbd: {  	[sflag:s0] =	ssyncadd.remote.s32 $0x1  }
0xbe: {  	_ =	sfence.sel $0xFFFF  }
0xbf: {  	[dreg:$0x0] =	wrdreg $0xFFFFFFFF;
	(pc) =	sbr.abs _section_cstart, $3  }
0xc0: {  	[dreg:$0x1] =	wrdreg $0xFFFFFFFF  }
0xc1: {  	_ =	task.clear_ibuf [dreg:s7], $0x2FFFF;
	_ =	strace $0x9FFFFFFF  }
0xc2: {  	(tm) =	ssettm $0x7FFFFFFF  }
0xc3: {  	_ =	shalt  }
tec
execute0_lowered:
.L_overlay_start_1:
0x0: {  	(tag) =	ssettag $0x1  }
0x1: {  	s1 =	srdreg.scid  }
0x2: {  	s4 =	rddreg [dreg:$0x0];
	s0 =	stileid.u32  }
0x3: {  	s2 =	rddreg [dreg:$0x1];
	s3 =	simm.s32 $0x0;
	s9 =	simm.s32 $0x3  }
0x4: {  	s10 =	simm.s32 $0x1;
	s11 =	simm.s32 $0x2;
	s5 =	sand.u32 $0x1, s1  }
0x5: {  	s12 =	simm.s32 $0x0;
	s6 =	sshll.u32 s0, $0x6;
	s7 =	sshll.u32 s5, $0x5  }
0x6: {  	s1 =	rddreg [dreg:$0x2];
	s5 =	ssub.s32 $0x2, s5;
	s6 =	sor.u32 s7, s6  }
0x7: {  	[smem:$0x7FF] =	sst s3;
	s8 =	sshrl.u32 s5, $0x1;
	s6 =	smin.u32 s6, $0x3C8  }
0x8: {  	_ =	strace $0x80000047;
	s8 =	ssub.s32 s5, s8;
	s31 =	sshll.u32 s6, $0x4  }
0x9: {  	s6 =	sshll.u32 s6, $0xA;
	s7 =	sadd.s32 s31, s4;
	s4 =	sadd.s32 $0x600, s4  }
0xa: {  	s5 =	sadd.s32 $0x2000, s7;
	s7 =	smax.u32 s8, $0x1;
	s8 =	simm.s32 $0x1000  }
.LBB2_1:
0xb: {  	[tilespmem:s8], [sflag:$0x3] =	stream.linear.gather [hbm4b:s4+s3], $0xC800, $0x38;
	[tilespmem:$0x1D800] =	vst v63  }
0xc: {  	_ =	swait.ge [sflag:s9], $0xC800  }
0xd: {  	[sflag:s9] =	ssyncset.done $0x0  }
0xe: {  	[sflag:s9] =	ssyncadd.s32 $0xFFFF3800  }
0xf: {  	[tilespmem:s3], [sflag:$0x3] =	stream.linear.gather [hbm4b:s5+s3], $0x1000, $0x38;
	[tilespmem:$0x1D800] =	vst v63  }
0x10: {  	_ =	swait.ge [sflag:s9], $0x1000  }
0x11: {  	[sflag:s9] =	ssyncset.done $0x0  }
0x12: {  	s13 =	simm.s32 $0x0;
	[sflag:s9] =	ssyncadd.s32 $0xFFFFF000  }
.LBB2_2:
0x13: {  	p0 =	seq.s32 s13, $0x0  }
0x14: {  	s15 =	simm.s32 @!p0 $0x1  }
0x15: {  	s16 =	sshll.u32 s13, $0xB;
	s14 =	sshllo.u32 s13, $0x1;
	_ =	swait.ge @!p0 [sflag:s15], $0x8000  }
0x16: {  	s17 =	simm.s32 $0x0;
	s31 =	sand.u32 $0x3FFFF800, s16;
	[sflag:s15] =	ssyncset.done @!p0 $0x0  }
0x17: {  	s16 =	simm.s32 $0x0;
	[sflag:s15] =	ssyncadd.s32 @!p0 $0xFFFF8000;
	s15 =	sadd.s32 $0x1000, s31  }
.LBB2_3:
0x18: {  	s19 =	sand.u32 $0x380, s17  }
0x19: {  	s18 =	sand.u32 $0x70, s17;
	s19 =	sadd.s32 s19, s15  }
0x1a: {  	s19 =	sadd.s32 s18, s19  }
0x1b: {  	v0 =	vld [tilespmem:s19+$0x0];
	_ =	sdelay $0x4  }
0x1c: {  	v1 =	vadd.s32 $0x80, v0  }
0x1d: {  	v2 =	vadd.s32 $0x100, v0  }
0x1e: {  	v3 =	vadd.s32 $0x180, v0  }
0x1f: {  	v4 =	vadd.s32 $0x200, v0  }
0x20: {  	v6 =	vadd.s32 $0x280, v0;
	v5 =	vld.idx.msk [tilespmem:v0+s3+$0x0], $0xffff  }
0x21: {  	v7 =	vadd.s32 $0x300, v0;
	v1 =	vld.idx.msk [tilespmem:v1+s3+$0x0], $0xffff  }
0x22: {  	v8 =	vadd.s32 $0x380, v0;
	v2 =	vld.idx.msk [tilespmem:v2+s3+$0x0], $0xffff  }
0x23: {  	v9 =	vadd.s32 $0x400, v0;
	v3 =	vld.idx.msk [tilespmem:v3+s3+$0x0], $0xffff  }
0x24: {  	v10 =	vadd.s32 $0x480, v0;
	v4 =	vld.idx.msk [tilespmem:v4+s3+$0x0], $0xffff  }
0x25: {  	v11 =	vadd.s32 $0x500, v0;
	v6 =	vld.idx.msk [tilespmem:v6+s3+$0x0], $0xffff  }
0x26: {  	v12 =	vadd.s32 $0x580, v0;
	v7 =	vld.idx.msk [tilespmem:v7+s3+$0x0], $0xffff  }
0x27: {  	v13 =	vadd.s32 $0x600, v0;
	v8 =	vld.idx.msk [tilespmem:v8+s3+$0x0], $0xffff  }
0x28: {  	v14 =	vadd.s32 $0x680, v0;
	v9 =	vld.idx.msk [tilespmem:v9+s3+$0x0], $0xffff  }
0x29: {  	v15 =	vadd.s32 $0x700, v0;
	v10 =	vld.idx.msk [tilespmem:v10+s3+$0x0], $0xffff  }
0x2a: {  	v16 =	vadd.s32 $0x780, v0;
	v11 =	vld.idx.msk [tilespmem:v11+s3+$0x0], $0xffff  }
0x2b: {  	v17 =	vadd.s32 $0x800, v0;
	v12 =	vld.idx.msk [tilespmem:v12+s3+$0x0], $0xffff  }
0x2c: {  	v18 =	vadd.s32 $0x880, v0;
	v13 =	vld.idx.msk [tilespmem:v13+s3+$0x0], $0xffff  }
0x2d: {  	v19 =	vadd.s32 $0x900, v0;
	v14 =	vld.idx.msk [tilespmem:v14+s3+$0x0], $0xffff  }
0x2e: {  	v20 =	vadd.s32 $0x980, v0;
	v15 =	vld.idx.msk [tilespmem:v15+s3+$0x0], $0xffff  }
0x2f: {  	v21 =	vadd.s32 $0xA00, v0;
	v16 =	vld.idx.msk [tilespmem:v16+s3+$0x0], $0xffff  }
0x30: {  	v22 =	vadd.s32 $0xA80, v0;
	v17 =	vld.idx.msk [tilespmem:v17+s3+$0x0], $0xffff  }
0x31: {  	v23 =	vadd.s32 $0xB00, v0;
	v18 =	vld.idx.msk [tilespmem:v18+s3+$0x0], $0xffff  }
0x32: {  	v24 =	vadd.s32 $0xB80, v0;
	v19 =	vld.idx.msk [tilespmem:v19+s3+$0x0], $0xffff  }
0x33: {  	v25 =	vadd.s32 $0xC00, v0;
	v20 =	vld.idx.msk [tilespmem:v20+s3+$0x0], $0xffff  }
0x34: {  	v26 =	vadd.s32 $0xC80, v0;
	v21 =	vld.idx.msk [tilespmem:v21+s3+$0x0], $0xffff  }
0x35: {  	v27 =	vadd.s32 $0xD00, v0;
	v22 =	vld.idx.msk [tilespmem:v22+s3+$0x0], $0xffff  }
0x36: {  	v28 =	vadd.s32 $0xD80, v0;
	v23 =	vld.idx.msk [tilespmem:v23+s3+$0x0], $0xffff  }
0x37: {  	v29 =	vadd.s32 $0xE00, v0;
	v24 =	vld.idx.msk [tilespmem:v24+s3+$0x0], $0xffff  }
0x38: {  	v30 =	vadd.s32 $0xE80, v0;
	v25 =	vld.idx.msk [tilespmem:v25+s3+$0x0], $0xffff  }
0x39: {  	v31 =	vadd.s32 $0xF00, v0;
	v26 =	vld.idx.msk [tilespmem:v26+s3+$0x0], $0xffff  }
0x3a: {  	v0 =	vadd.s32 $0xF80, v0;
	v27 =	vld.idx.msk [tilespmem:v27+s3+$0x0], $0xffff  }
0x3b: {  	v28 =	vld.idx.msk [tilespmem:v28+s3+$0x0], $0xffff  }
0x3c: {  	v29 =	vld.idx.msk [tilespmem:v29+s3+$0x0], $0xffff  }
0x3d: {  	s30 =	sand.u32 $0x1C00, s16;
	v30 =	vld.idx.msk [tilespmem:v30+s3+$0x0], $0xffff  }
0x3e: {  	s18 =	sor.u32 s18, s30;
	v31 =	vld.idx.msk [tilespmem:v31+s3+$0x0], $0xffff  }
0x3f: {  	v0 =	vld.idx.msk [tilespmem:v0+s3+$0x0], $0xffff;
	[tilespmem:s18+$0xD800] =	vst v5  }
0x40: {  	[tilespmem:s18+$0xD880] =	vst v1  }
0x41: {  	[tilespmem:s18+$0xD900] =	vst v2  }
0x42: {  	[tilespmem:s18+$0xD980] =	vst v3  }
0x43: {  	[tilespmem:s18+$0xDA00] =	vst v4  }
0x44: {  	s31 =	sor.u32 s16, s17;
	[tilespmem:s18+$0xDA80] =	vst v6  }
0x45: {  	s19 =	sor.u32 $0x380, s31;
	[tilespmem:s18+$0xDB00] =	vst v7  }
0x46: {  	[tilespmem:s19+$0xD800] =	vst v8  }
0x47: {  	[tilespmem:s18+$0xF800] =	vst v9  }
0x48: {  	[tilespmem:s18+$0xF880] =	vst v10  }
0x49: {  	[tilespmem:s18+$0xF900] =	vst v11  }
0x4a: {  	[tilespmem:s18+$0xF980] =	vst v12  }
0x4b: {  	[tilespmem:s18+$0xFA00] =	vst v13  }
0x4c: {  	[tilespmem:s18+$0xFA80] =	vst v14  }
0x4d: {  	[tilespmem:s18+$0xFB00] =	vst v15  }
0x4e: {  	[tilespmem:s18+$0xFB80] =	vst v16  }
0x4f: {  	[tilespmem:s18+$0x11800] =	vst v17  }
0x50: {  	[tilespmem:s18+$0x11880] =	vst v18  }
0x51: {  	[tilespmem:s18+$0x11900] =	vst v19  }
0x52: {  	[tilespmem:s18+$0x11980] =	vst v20  }
0x53: {  	[tilespmem:s18+$0x11A00] =	vst v21  }
0x54: {  	[tilespmem:s18+$0x11A80] =	vst v22  }
0x55: {  	[tilespmem:s18+$0x11B00] =	vst v23  }
0x56: {  	[tilespmem:s18+$0x11B80] =	vst v24  }
0x57: {  	[tilespmem:s18+$0x13800] =	vst v25  }
0x58: {  	[tilespmem:s18+$0x13880] =	vst v26  }
0x59: {  	p1 =	sne.s32 s17, $0x3F0;
	[tilespmem:s18+$0x13900] =	vst v27  }
.Ltmp0:
0x5a: {  	[tilespmem:s18+$0x13980] =	vst v28;
	(pc) =	sbr.rel @p1 .LBB2_3-.Ltmp0, $4  }
0x5b: {  	[tilespmem:s18+$0x13A00] =	vst v29  }
0x5c: {  	[tilespmem:s18+$0x13A80] =	vst v30  }
0x5d: {  	[tilespmem:s18+$0x13B00] =	vst v31  }
0x5e: {  	s16 =	sadd.s32 $0x80, s16;
	s17 =	sadd.s32 $0x10, s17;
	[tilespmem:s18+$0x13B80] =	vst v0  }
0x5f: {  	v0 =	vld [tilespmem:$0xF470]  }
0x60: {  	v1 =	vld [tilespmem:$0xF4F0];
	_ =	sdelay $0x1  }
0x61: {  	v2 =	vld [tilespmem:$0xF570];
	_ =	sdelay $0x1  }
0x62: {  	v3 =	vld [tilespmem:$0xF5F0]  }
0x63: {  	v0 =	vadd.f32 v1, v0  }
0x64: {  	v62 =	vld [tilespmem:$0xF670]  }
0x65: {  	v0 =	vadd.f32 v2, v0  }
0x66: {  	v63 =	vld [tilespmem:$0xF6F0]  }
0x67: {  	v0 =	vadd.f32 v3, v0  }
0x68: {  	v6 =	vld [tilespmem:$0xF770]  }
0x69: {  	v0 =	vadd.f32 v62, v0  }
0x6a: {  	v7 =	vld [tilespmem:$0xF7F0]  }
0x6b: {  	v0 =	vadd.f32 v63, v0  }
0x6c: {  	v8 =	vld [tilespmem:$0x11470]  }
0x6d: {  	v0 =	vadd.f32 v6, v0  }
0x6e: {  	v9 =	vld [tilespmem:$0x114F0]  }
0x6f: {  	v0 =	vadd.f32 v7, v0  }
0x70: {  	v10 =	vld [tilespmem:$0x11570]  }
0x71: {  	v0 =	vadd.f32 v8, v0  }
0x72: {  	v11 =	vld [tilespmem:$0x115F0]  }
0x73: {  	v0 =	vadd.f32 v9, v0  }
0x74: {  	v12 =	vld [tilespmem:$0x11670]  }
0x75: {  	v0 =	vadd.f32 v10, v0  }
0x76: {  	v13 =	vld [tilespmem:$0x116F0]  }
0x77: {  	v0 =	vadd.f32 v11, v0  }
0x78: {  	v14 =	vld [tilespmem:$0x11770]  }
0x79: {  	v0 =	vadd.f32 v12, v0  }
0x7a: {  	v15 =	vld [tilespmem:$0x117F0]  }
0x7b: {  	v0 =	vadd.f32 v13, v0  }
0x7c: {  	v16 =	vld [tilespmem:$0x13470]  }
0x7d: {  	v0 =	vadd.f32 v14, v0  }
0x7e: {  	v17 =	vld [tilespmem:$0x134F0]  }
0x7f: {  	v0 =	vadd.f32 v15, v0  }
0x80: {  	v18 =	vld [tilespmem:$0x13570]  }
0x81: {  	v0 =	vadd.f32 v16, v0  }
0x82: {  	v19 =	vld [tilespmem:$0x135F0]  }
0x83: {  	v0 =	vadd.f32 v17, v0  }
0x84: {  	v20 =	vld [tilespmem:$0x13670]  }
0x85: {  	v0 =	vadd.f32 v18, v0  }
0x86: {  	v21 =	vld [tilespmem:$0x136F0]  }
0x87: {  	v0 =	vadd.f32 v19, v0  }
0x88: {  	v22 =	vld [tilespmem:$0x13770]  }
0x89: {  	v0 =	vadd.f32 v20, v0  }
0x8a: {  	v23 =	vld [tilespmem:$0x137F0]  }
0x8b: {  	v0 =	vadd.f32 v21, v0  }
0x8c: {  	v24 =	vld [tilespmem:$0x15470]  }
0x8d: {  	v0 =	vadd.f32 v22, v0  }
0x8e: {  	v25 =	vld [tilespmem:$0x154F0]  }
0x8f: {  	v0 =	vadd.f32 v23, v0  }
0x90: {  	v26 =	vld [tilespmem:$0x15570]  }
0x91: {  	v0 =	vadd.f32 v24, v0  }
0x92: {  	v27 =	vld [tilespmem:$0x155F0]  }
0x93: {  	v0 =	vadd.f32 v25, v0  }
0x94: {  	v28 =	vld [tilespmem:$0x15670]  }
0x95: {  	v0 =	vadd.f32 v26, v0  }
0x96: {  	v29 =	vld [tilespmem:$0x156F0]  }
0x97: {  	v0 =	vadd.f32 v27, v0  }
0x98: {  	v30 =	vld [tilespmem:$0x15770]  }
0x99: {  	v0 =	vadd.f32 v28, v0  }
0x9a: {  	v31 =	vld [tilespmem:$0x157F0]  }
0x9b: {  	v0 =	vadd.f32 v29, v0  }
0x9c: {  	v32 =	vld [tilespmem:$0xF460]  }
0x9d: {  	v0 =	vadd.f32 v30, v0  }
0x9e: {  	v33 =	vld [tilespmem:$0xF4E0]  }
0x9f: {  	v0 =	vadd.f32 v31, v0  }
0xa0: {  	v34 =	vld [tilespmem:$0xF560]  }
0xa1: {  	v0 =	vadd.f32 v32, v0  }
0xa2: {  	v35 =	vld [tilespmem:$0xF5E0]  }
0xa3: {  	v0 =	vadd.f32 v33, v0  }
0xa4: {  	v36 =	vld [tilespmem:$0xF660]  }
0xa5: {  	v0 =	vadd.f32 v34, v0  }
0xa6: {  	v37 =	vld [tilespmem:$0xF6E0]  }
0xa7: {  	v0 =	vadd.f32 v35, v0  }
0xa8: {  	v38 =	vld [tilespmem:$0xF760]  }
0xa9: {  	v0 =	vadd.f32 v36, v0  }
0xaa: {  	v39 =	vld [tilespmem:$0xF7E0]  }
0xab: {  	v0 =	vadd.f32 v37, v0  }
0xac: {  	v40 =	vld [tilespmem:$0x11460]  }
0xad: {  	v0 =	vadd.f32 v38, v0  }
0xae: {  	v41 =	vld [tilespmem:$0x114E0]  }
0xaf: {  	v0 =	vadd.f32 v39, v0  }
0xb0: {  	v42 =	vld [tilespmem:$0x11560]  }
0xb1: {  	v0 =	vadd.f32 v40, v0  }
0xb2: {  	v43 =	vld [tilespmem:$0x115E0]  }
0xb3: {  	v0 =	vadd.f32 v41, v0  }
0xb4: {  	v44 =	vld [tilespmem:$0x11660]  }
0xb5: {  	v0 =	vadd.f32 v42, v0  }
0xb6: {  	v45 =	vld [tilespmem:$0x116E0]  }
0xb7: {  	v0 =	vadd.f32 v43, v0  }
0xb8: {  	v46 =	vld [tilespmem:$0x11760]  }
0xb9: {  	v0 =	vadd.f32 v44, v0  }
0xba: {  	v47 =	vld [tilespmem:$0x117E0]  }
0xbb: {  	v0 =	vadd.f32 v45, v0  }
0xbc: {  	v48 =	vld [tilespmem:$0x13460]  }
0xbd: {  	v0 =	vadd.f32 v46, v0  }
0xbe: {  	v49 =	vld [tilespmem:$0x134E0]  }
0xbf: {  	v0 =	vadd.f32 v47, v0  }
0xc0: {  	v50 =	vld [tilespmem:$0x13560]  }
0xc1: {  	v0 =	vadd.f32 v48, v0  }
0xc2: {  	v51 =	vld [tilespmem:$0x135E0]  }
0xc3: {  	v0 =	vadd.f32 v49, v0  }
0xc4: {  	v52 =	vld [tilespmem:$0x13660]  }
0xc5: {  	v0 =	vadd.f32 v50, v0  }
0xc6: {  	v53 =	vld [tilespmem:$0x136E0]  }
0xc7: {  	v0 =	vadd.f32 v51, v0  }
0xc8: {  	v54 =	vld [tilespmem:$0x13760]  }
0xc9: {  	v0 =	vadd.f32 v52, v0  }
0xca: {  	v55 =	vld [tilespmem:$0x137E0]  }
0xcb: {  	v0 =	vadd.f32 v53, v0  }
0xcc: {  	v56 =	vld [tilespmem:$0x15460]  }
0xcd: {  	v0 =	vadd.f32 v54, v0  }
0xce: {  	v57 =	vld [tilespmem:$0x154E0]  }
0xcf: {  	v0 =	vadd.f32 v55, v0  }
0xd0: {  	v58 =	vld [tilespmem:$0x15560]  }
0xd1: {  	v0 =	vadd.f32 v56, v0  }
0xd2: {  	v59 =	vld [tilespmem:$0x155E0]  }
0xd3: {  	v0 =	vadd.f32 v57, v0  }
0xd4: {  	v60 =	vld [tilespmem:$0x15660]  }
0xd5: {  	v0 =	vadd.f32 v58, v0  }
0xd6: {  	v61 =	vld [tilespmem:$0x156E0]  }
0xd7: {  	v0 =	vadd.f32 v59, v0  }
0xd8: {  	v62 =	vld [tilespmem:$0x15760]  }
0xd9: {  	v0 =	vadd.f32 v60, v0  }
0xda: {  	v63 =	vld [tilespmem:$0x157E0]  }
0xdb: {  	v0 =	vadd.f32 v61, v0;
	_ =	sdelay $0x1  }
0xdc: {  	v0 =	vadd.f32 v62, v0;
	_ =	sdelay $0x1  }
0xdd: {  	v0 =	vadd.f32 v63, v0;
	_ =	sdelay $0x1  }
0xde: {  	(xrf2) =	vadd.scan.msk.f32 $0xffff, v0;
	_ =	sdelay $0x9  }
0xdf: {  	v0, _, _ =	vpop (xrf2)  }
0xe0: {  	(v2sf) =	vpush v0, $0xF;
	_ =	sdelay $0xe  }
0xe1: {  	s15 =	spop (v2sf)  }
0xe2: {  	p1 =	sne.f32 s15, s15;
	_ =	sdelay $0x1  }
0xe3: {  	s15 =	smul.u32 @!p1 $0x1F4000, s13;
	_ =	sdelay $0x1  }
0xe4: {  	s15 =	sadd.s32 @!p1 s6, s15  }
0xe5: {  	s15 =	sshrl.u32 @!p1 s15, $0x3  }
0xe6: {  	s16 =	simm.s32 @!p1 $0x0;
	s17 =	simm.s32 @!p1 $0xD800;
	s15 =	sadd.s32 @!p1 s2, s15  }
0xe7: {  	[hbm4b:s15+s16] =	stream.linear.scatter @!p1 [tilespmem:s17], [sflag:$0x1], $0x8000, $0x38;
	[tilespmem:$0x1D800] =	vst v63  }
0xe8: {  	s15 =	simm.s32 @!p0 $0x2  }
0xe9: {  	s30 =	sshll.u32 s14, $0xA;
	_ =	swait.ge @!p0 [sflag:s15], $0x8000  }
0xea: {  	s31 =	sand.u32 $0x3FFFFC00, s30;
	s16 =	simm.s32 $0x0;
	[sflag:s15] =	ssyncset.done @!p0 $0x0  }
0xeb: {  	s17 =	simm.s32 $0x0;
	[sflag:s15] =	ssyncadd.s32 @!p0 $0xFFFF8000;
	s15 =	sadd.s32 $0x1000, s31  }
.LBB2_5:
0xec: {  	s19 =	sand.u32 $0x380, s17  }
0xed: {  	s18 =	sand.u32 $0x70, s17;
	s19 =	sadd.s32 s19, s15  }
0xee: {  	s19 =	sadd.s32 s18, s19  }
0xef: {  	v0 =	vld [tilespmem:s19+$0x0];
	_ =	sdelay $0x4  }
0xf0: {  	v1 =	vadd.s32 $0x80, v0  }
0xf1: {  	v2 =	vadd.s32 $0x100, v0  }
0xf2: {  	v3 =	vadd.s32 $0x180, v0  }
0xf3: {  	v4 =	vadd.s32 $0x200, v0  }
0xf4: {  	v6 =	vadd.s32 $0x280, v0;
	v5 =	vld.idx.msk [tilespmem:v0+s3+$0x0], $0xffff  }
0xf5: {  	v7 =	vadd.s32 $0x300, v0;
	v1 =	vld.idx.msk [tilespmem:v1+s3+$0x0], $0xffff  }
0xf6: {  	v8 =	vadd.s32 $0x380, v0;
	v2 =	vld.idx.msk [tilespmem:v2+s3+$0x0], $0xffff  }
0xf7: {  	v9 =	vadd.s32 $0x400, v0;
	v3 =	vld.idx.msk [tilespmem:v3+s3+$0x0], $0xffff  }
0xf8: {  	v10 =	vadd.s32 $0x480, v0;
	v4 =	vld.idx.msk [tilespmem:v4+s3+$0x0], $0xffff  }
0xf9: {  	v11 =	vadd.s32 $0x500, v0;
	v6 =	vld.idx.msk [tilespmem:v6+s3+$0x0], $0xffff  }
0xfa: {  	v12 =	vadd.s32 $0x580, v0;
	v7 =	vld.idx.msk [tilespmem:v7+s3+$0x0], $0xffff  }
0xfb: {  	v13 =	vadd.s32 $0x600, v0;
	v8 =	vld.idx.msk [tilespmem:v8+s3+$0x0], $0xffff  }
0xfc: {  	v14 =	vadd.s32 $0x680, v0;
	v9 =	vld.idx.msk [tilespmem:v9+s3+$0x0], $0xffff  }
0xfd: {  	v15 =	vadd.s32 $0x700, v0;
	v10 =	vld.idx.msk [tilespmem:v10+s3+$0x0], $0xffff  }
0xfe: {  	v16 =	vadd.s32 $0x780, v0;
	v11 =	vld.idx.msk [tilespmem:v11+s3+$0x0], $0xffff  }
0xff: {  	v17 =	vadd.s32 $0x800, v0;
	v12 =	vld.idx.msk [tilespmem:v12+s3+$0x0], $0xffff  }
0x100: {  	v18 =	vadd.s32 $0x880, v0;
	v13 =	vld.idx.msk [tilespmem:v13+s3+$0x0], $0xffff  }
0x101: {  	v19 =	vadd.s32 $0x900, v0;
	v14 =	vld.idx.msk [tilespmem:v14+s3+$0x0], $0xffff  }
0x102: {  	v20 =	vadd.s32 $0x980, v0;
	v15 =	vld.idx.msk [tilespmem:v15+s3+$0x0], $0xffff  }
0x103: {  	v21 =	vadd.s32 $0xA00, v0;
	v16 =	vld.idx.msk [tilespmem:v16+s3+$0x0], $0xffff  }
0x104: {  	v22 =	vadd.s32 $0xA80, v0;
	v17 =	vld.idx.msk [tilespmem:v17+s3+$0x0], $0xffff  }
0x105: {  	v23 =	vadd.s32 $0xB00, v0;
	v18 =	vld.idx.msk [tilespmem:v18+s3+$0x0], $0xffff  }
0x106: {  	v24 =	vadd.s32 $0xB80, v0;
	v19 =	vld.idx.msk [tilespmem:v19+s3+$0x0], $0xffff  }
0x107: {  	v25 =	vadd.s32 $0xC00, v0;
	v20 =	vld.idx.msk [tilespmem:v20+s3+$0x0], $0xffff  }
0x108: {  	v26 =	vadd.s32 $0xC80, v0;
	v21 =	vld.idx.msk [tilespmem:v21+s3+$0x0], $0xffff  }
0x109: {  	v27 =	vadd.s32 $0xD00, v0;
	v22 =	vld.idx.msk [tilespmem:v22+s3+$0x0], $0xffff  }
0x10a: {  	v28 =	vadd.s32 $0xD80, v0;
	v23 =	vld.idx.msk [tilespmem:v23+s3+$0x0], $0xffff  }
0x10b: {  	v29 =	vadd.s32 $0xE00, v0;
	v24 =	vld.idx.msk [tilespmem:v24+s3+$0x0], $0xffff  }
0x10c: {  	v30 =	vadd.s32 $0xE80, v0;
	v25 =	vld.idx.msk [tilespmem:v25+s3+$0x0], $0xffff  }
0x10d: {  	v31 =	vadd.s32 $0xF00, v0;
	v26 =	vld.idx.msk [tilespmem:v26+s3+$0x0], $0xffff  }
0x10e: {  	v0 =	vadd.s32 $0xF80, v0;
	v27 =	vld.idx.msk [tilespmem:v27+s3+$0x0], $0xffff  }
0x10f: {  	v28 =	vld.idx.msk [tilespmem:v28+s3+$0x0], $0xffff  }
0x110: {  	v29 =	vld.idx.msk [tilespmem:v29+s3+$0x0], $0xffff  }
0x111: {  	s30 =	sand.u32 $0x1C00, s16;
	v30 =	vld.idx.msk [tilespmem:v30+s3+$0x0], $0xffff  }
0x112: {  	s18 =	sor.u32 s18, s30;
	v31 =	vld.idx.msk [tilespmem:v31+s3+$0x0], $0xffff  }
0x113: {  	s19 =	sadd.s32 $0x15800, s18;
	v0 =	vld.idx.msk [tilespmem:v0+s3+$0x0], $0xffff;
	[tilespmem:s18+$0x15800] =	vst v5  }
0x114: {  	[tilespmem:s19+$0x80] =	vst v1  }
0x115: {  	[tilespmem:s19+$0x100] =	vst v2  }
0x116: {  	[tilespmem:s19+$0x180] =	vst v3  }
0x117: {  	[tilespmem:s19+$0x200] =	vst v4  }
0x118: {  	s31 =	sor.u32 s16, s17;
	[tilespmem:s19+$0x280] =	vst v6  }
0x119: {  	[tilespmem:s19+$0x300] =	vst v7;
	s19 =	sor.u32 $0x380, s31  }
0x11a: {  	[tilespmem:s19+$0x15800] =	vst v8  }
0x11b: {  	[tilespmem:s18+$0x17800] =	vst v9  }
0x11c: {  	[tilespmem:s18+$0x17880] =	vst v10  }
0x11d: {  	[tilespmem:s18+$0x17900] =	vst v11  }
0x11e: {  	[tilespmem:s18+$0x17980] =	vst v12  }
0x11f: {  	[tilespmem:s18+$0x17A00] =	vst v13  }
0x120: {  	[tilespmem:s18+$0x17A80] =	vst v14  }
0x121: {  	[tilespmem:s18+$0x17B00] =	vst v15  }
0x122: {  	[tilespmem:s18+$0x17B80] =	vst v16  }
0x123: {  	[tilespmem:s18+$0x19800] =	vst v17  }
0x124: {  	[tilespmem:s18+$0x19880] =	vst v18  }
0x125: {  	[tilespmem:s18+$0x19900] =	vst v19  }
0x126: {  	[tilespmem:s18+$0x19980] =	vst v20  }
0x127: {  	[tilespmem:s18+$0x19A00] =	vst v21  }
0x128: {  	[tilespmem:s18+$0x19A80] =	vst v22  }
0x129: {  	[tilespmem:s18+$0x19B00] =	vst v23  }
0x12a: {  	[tilespmem:s18+$0x19B80] =	vst v24  }
0x12b: {  	[tilespmem:s18+$0x1B800] =	vst v25  }
0x12c: {  	[tilespmem:s18+$0x1B880] =	vst v26  }
0x12d: {  	p0 =	sne.s32 s17, $0x3F0;
	[tilespmem:s18+$0x1B900] =	vst v27  }
.Ltmp1:
0x12e: {  	[tilespmem:s18+$0x1B980] =	vst v28;
	(pc) =	sbr.rel @p0 .LBB2_5-.Ltmp1, $4  }
0x12f: {  	[tilespmem:s18+$0x1BA00] =	vst v29  }
0x130: {  	[tilespmem:s18+$0x1BA80] =	vst v30  }
0x131: {  	[tilespmem:s18+$0x1BB00] =	vst v31  }
0x132: {  	s16 =	sadd.s32 $0x80, s16;
	s17 =	sadd.s32 $0x10, s17;
	[tilespmem:s18+$0x1BB80] =	vst v0  }
0x133: {  	v0 =	vld [tilespmem:$0x17470]  }
0x134: {  	v1 =	vld [tilespmem:$0x174F0];
	_ =	sdelay $0x1  }
0x135: {  	v2 =	vld [tilespmem:$0x17570];
	_ =	sdelay $0x1  }
0x136: {  	v3 =	vld [tilespmem:$0x175F0]  }
0x137: {  	v0 =	vadd.f32 v1, v0  }
0x138: {  	v62 =	vld [tilespmem:$0x17670]  }
0x139: {  	v0 =	vadd.f32 v2, v0  }
0x13a: {  	v63 =	vld [tilespmem:$0x176F0]  }
0x13b: {  	v0 =	vadd.f32 v3, v0  }
0x13c: {  	v6 =	vld [tilespmem:$0x17770]  }
0x13d: {  	v0 =	vadd.f32 v62, v0  }
0x13e: {  	v7 =	vld [tilespmem:$0x177F0]  }
0x13f: {  	v0 =	vadd.f32 v63, v0  }
0x140: {  	v8 =	vld [tilespmem:$0x19470]  }
0x141: {  	v0 =	vadd.f32 v6, v0  }
0x142: {  	v9 =	vld [tilespmem:$0x194F0]  }
0x143: {  	v0 =	vadd.f32 v7, v0  }
0x144: {  	v10 =	vld [tilespmem:$0x19570]  }
0x145: {  	v0 =	vadd.f32 v8, v0  }
0x146: {  	v11 =	vld [tilespmem:$0x195F0]  }
0x147: {  	v0 =	vadd.f32 v9, v0  }
0x148: {  	v12 =	vld [tilespmem:$0x19670]  }
0x149: {  	v0 =	vadd.f32 v10, v0  }
0x14a: {  	v13 =	vld [tilespmem:$0x196F0]  }
0x14b: {  	v0 =	vadd.f32 v11, v0  }
0x14c: {  	v14 =	vld [tilespmem:$0x19770]  }
0x14d: {  	v0 =	vadd.f32 v12, v0  }
0x14e: {  	v15 =	vld [tilespmem:$0x197F0]  }
0x14f: {  	v0 =	vadd.f32 v13, v0  }
0x150: {  	v16 =	vld [tilespmem:$0x1B470]  }
0x151: {  	v0 =	vadd.f32 v14, v0  }
0x152: {  	v17 =	vld [tilespmem:$0x1B4F0]  }
0x153: {  	v0 =	vadd.f32 v15, v0  }
0x154: {  	v18 =	vld [tilespmem:$0x1B570]  }
0x155: {  	v0 =	vadd.f32 v16, v0  }
0x156: {  	v19 =	vld [tilespmem:$0x1B5F0]  }
0x157: {  	v0 =	vadd.f32 v17, v0  }
0x158: {  	v20 =	vld [tilespmem:$0x1B670]  }
0x159: {  	v0 =	vadd.f32 v18, v0  }
0x15a: {  	v21 =	vld [tilespmem:$0x1B6F0]  }
0x15b: {  	v0 =	vadd.f32 v19, v0  }
0x15c: {  	v22 =	vld [tilespmem:$0x1B770]  }
0x15d: {  	v0 =	vadd.f32 v20, v0  }
0x15e: {  	v23 =	vld [tilespmem:$0x1B7F0]  }
0x15f: {  	v0 =	vadd.f32 v21, v0  }
0x160: {  	v24 =	vld [tilespmem:$0x1D470]  }
0x161: {  	v0 =	vadd.f32 v22, v0  }
0x162: {  	v25 =	vld [tilespmem:$0x1D4F0]  }
0x163: {  	v0 =	vadd.f32 v23, v0  }
0x164: {  	v26 =	vld [tilespmem:$0x1D570]  }
0x165: {  	v0 =	vadd.f32 v24, v0  }
0x166: {  	v27 =	vld [tilespmem:$0x1D5F0]  }
0x167: {  	v0 =	vadd.f32 v25, v0  }
0x168: {  	v28 =	vld [tilespmem:$0x1D670]  }
0x169: {  	v0 =	vadd.f32 v26, v0  }
0x16a: {  	v29 =	vld [tilespmem:$0x1D6F0]  }
0x16b: {  	v0 =	vadd.f32 v27, v0  }
0x16c: {  	v30 =	vld [tilespmem:$0x1D770]  }
0x16d: {  	v0 =	vadd.f32 v28, v0  }
0x16e: {  	v31 =	vld [tilespmem:$0x1D7F0]  }
0x16f: {  	v0 =	vadd.f32 v29, v0  }
0x170: {  	v32 =	vld [tilespmem:$0x17460]  }
0x171: {  	v0 =	vadd.f32 v30, v0  }
0x172: {  	v33 =	vld [tilespmem:$0x174E0]  }
0x173: {  	v0 =	vadd.f32 v31, v0  }
0x174: {  	v34 =	vld [tilespmem:$0x17560]  }
0x175: {  	v0 =	vadd.f32 v32, v0  }
0x176: {  	v35 =	vld [tilespmem:$0x175E0]  }
0x177: {  	v0 =	vadd.f32 v33, v0  }
0x178: {  	v36 =	vld [tilespmem:$0x17660]  }
0x179: {  	v0 =	vadd.f32 v34, v0  }
0x17a: {  	v37 =	vld [tilespmem:$0x176E0]  }
0x17b: {  	v0 =	vadd.f32 v35, v0  }
0x17c: {  	v38 =	vld [tilespmem:$0x17760]  }
0x17d: {  	v0 =	vadd.f32 v36, v0  }
0x17e: {  	v39 =	vld [tilespmem:$0x177E0]  }
0x17f: {  	v0 =	vadd.f32 v37, v0  }
0x180: {  	v40 =	vld [tilespmem:$0x19460]  }
0x181: {  	v0 =	vadd.f32 v38, v0  }
0x182: {  	v41 =	vld [tilespmem:$0x194E0]  }
0x183: {  	v0 =	vadd.f32 v39, v0  }
0x184: {  	v42 =	vld [tilespmem:$0x19560]  }
0x185: {  	v0 =	vadd.f32 v40, v0  }
0x186: {  	v43 =	vld [tilespmem:$0x195E0]  }
0x187: {  	v0 =	vadd.f32 v41, v0  }
0x188: {  	v44 =	vld [tilespmem:$0x19660]  }
0x189: {  	v0 =	vadd.f32 v42, v0  }
0x18a: {  	v45 =	vld [tilespmem:$0x196E0]  }
0x18b: {  	v0 =	vadd.f32 v43, v0  }
0x18c: {  	v46 =	vld [tilespmem:$0x19760]  }
0x18d: {  	v0 =	vadd.f32 v44, v0  }
0x18e: {  	v47 =	vld [tilespmem:$0x197E0]  }
0x18f: {  	v0 =	vadd.f32 v45, v0  }
0x190: {  	v48 =	vld [tilespmem:$0x1B460]  }
0x191: {  	v0 =	vadd.f32 v46, v0  }
0x192: {  	v49 =	vld [tilespmem:$0x1B4E0]  }
0x193: {  	v0 =	vadd.f32 v47, v0  }
0x194: {  	v50 =	vld [tilespmem:$0x1B560]  }
0x195: {  	v0 =	vadd.f32 v48, v0  }
0x196: {  	v51 =	vld [tilespmem:$0x1B5E0]  }
0x197: {  	v0 =	vadd.f32 v49, v0  }
0x198: {  	v52 =	vld [tilespmem:$0x1B660]  }
0x199: {  	v0 =	vadd.f32 v50, v0  }
0x19a: {  	v53 =	vld [tilespmem:$0x1B6E0]  }
0x19b: {  	v0 =	vadd.f32 v51, v0  }
0x19c: {  	v54 =	vld [tilespmem:$0x1B760]  }
0x19d: {  	v0 =	vadd.f32 v52, v0  }
0x19e: {  	v55 =	vld [tilespmem:$0x1B7E0]  }
0x19f: {  	v0 =	vadd.f32 v53, v0  }
0x1a0: {  	v56 =	vld [tilespmem:$0x1D460]  }
0x1a1: {  	v0 =	vadd.f32 v54, v0  }
0x1a2: {  	v57 =	vld [tilespmem:$0x1D4E0]  }
0x1a3: {  	v0 =	vadd.f32 v55, v0  }
0x1a4: {  	v58 =	vld [tilespmem:$0x1D560]  }
0x1a5: {  	v0 =	vadd.f32 v56, v0  }
0x1a6: {  	v59 =	vld [tilespmem:$0x1D5E0]  }
0x1a7: {  	v0 =	vadd.f32 v57, v0  }
0x1a8: {  	v60 =	vld [tilespmem:$0x1D660]  }
0x1a9: {  	v0 =	vadd.f32 v58, v0  }
0x1aa: {  	v61 =	vld [tilespmem:$0x1D6E0]  }
0x1ab: {  	v0 =	vadd.f32 v59, v0  }
0x1ac: {  	v62 =	vld [tilespmem:$0x1D760]  }
0x1ad: {  	v0 =	vadd.f32 v60, v0  }
0x1ae: {  	v63 =	vld [tilespmem:$0x1D7E0]  }
0x1af: {  	v0 =	vadd.f32 v61, v0;
	_ =	sdelay $0x1  }
0x1b0: {  	v0 =	vadd.f32 v62, v0;
	_ =	sdelay $0x1  }
0x1b1: {  	v0 =	vadd.f32 v63, v0;
	_ =	sdelay $0x1  }
0x1b2: {  	(xrf2) =	vadd.scan.msk.f32 $0xffff, v0;
	_ =	sdelay $0x9  }
0x1b3: {  	v0, _, _ =	vpop (xrf2)  }
0x1b4: {  	(v2sf) =	vpush v0, $0xF;
	_ =	sdelay $0xe  }
0x1b5: {  	s15 =	spop (v2sf)  }
0x1b6: {  	p0 =	sne.f32 s15, s15;
	_ =	sdelay $0x1  }
0x1b7: {  	s14 =	smul.u32 @!p0 $0xFA000, s14;
	_ =	sdelay $0x1  }
0x1b8: {  	s14 =	sadd.s32 @!p0 s6, s14  }
0x1b9: {  	s13 =	sadd.s32 $0x1, s13;
	s14 =	sshrl.u32 @!p0 s14, $0x3  }
0x1ba: {  	s15 =	simm.s32 @!p0 $0x0;
	s16 =	simm.s32 @!p0 $0x15800;
	s14 =	sadd.s32 @!p0 s2, s14  }
0x1bb: {  	[hbm4b:s14+s15] =	stream.linear.scatter @!p0 [tilespmem:s16], [sflag:$0x2], $0x8000, $0x38;
	[tilespmem:$0x1D800] =	vst v63  }
0x1bc: {  	p0 =	sne.s32 s13, $0x19  }
.Ltmp2:
0x1bd: {  	_ = 	snop;
	(pc) =	sbr.rel @p0 .LBB2_2-.Ltmp2, $1  }
0x1be: {  	_ =	sdelay $0x3  }
0x1bf: {  	s12 =	sadd.s32 $0x1, s12  }
0x1c0: {  	_ =	swait.ge [sflag:s10], $0x8000;
	p0 =	sne.s32 s12, s7  }
.Ltmp3:
0x1c1: {  	[sflag:s10] =	ssyncset.done $0x0;
	(pc) =	sbr.rel @p0 .LBB2_1-.Ltmp3, $4  }
0x1c2: {  	[sflag:s10] =	ssyncadd.s32 $0xFFFF8000  }
0x1c3: {  	_ =	swait.ge [sflag:s11], $0x8000  }
0x1c4: {  	[sflag:s11] =	ssyncset.done $0x0  }
0x1c5: {  	[sflag:s11] =	ssyncadd.s32 $0xFFFF8000  }
0x1c6: {  	_ =	sfence.sel $0x180000  }
0x1c7: {  	[bflag:$0x0] =	sbarrier.arrive $0xFFFF  }
0x1c8: {  	p0 =	sne.s32 s0, $0x0;
	_ =	strace $0x90000047  }
0x1c9: {  	s0 =	sadd.s32 @!p0 $0x100000, s1;
	[bflag:$0x2] =	sbarrier.arrive $0xFFFF  }
0x1ca: {  	[sflag:s0] =	ssyncadd.tile.s32 @!p0 $0x1;
	_ =	shalt  }
.Lfunc_end2:
_tile_overlayer_lowered:
.L_overlay_start_2:
0x1cb: {  	(tag) =	ssettag $0x2  }
0x1cc: {  	s0 =	rddreg [dreg:$0x0];
	s2 =	stileid.u32  }
0x1cd: {  	s1 =	rddreg [dreg:$0x1];
	p0 =	sne.s32 s2, $0x0  }
0x1ce: {  	s3 =	rddreg [dreg:$0x2];
	[bflag:$0x3] =	sbarrier.arrive $0xFFFF;
	s2 =	simm.s32 @!p0 $0x1C03  }
0x1cf: {  	[timem:s3], [sflag:s2] =	dma.local @!p0 [hbm:s0], s1  }
0x1d0: {  	s0 =	simm.s32 @!p0 $0x3  }
0x1d1: {  	_ =	swait.ge @!p0 [sflag:s0], s1  }
0x1d2: {  	s1 =	ssub.s32 @!p0 $0x0, s1;
	[sflag:s0] =	ssyncset.done @!p0 $0x0  }
0x1d3: {  	[sflag:s0] =	ssyncadd.s32 @!p0 s1  }
0x1d4: {  	[bflag:$0x3] =	sbarrier.arrive $0xFFFF  }
0x1d5: {  	_ =	shalt  }

</sc_bundles>
